<compile_context>
chip_gen: v7x
topology: tpu7x:2x2x1
jax: 0.10.2.dev20260603
libtpu: 0.0.44.dev20260713+nightly
codegen_flags: <defaults>
</compile_context>

<pallas_src>
import functools

import jax
import jax.numpy as jnp
from jax import lax
from jax.experimental import pallas as pl
from jax.experimental.pallas import tpu as pltpu
from jax.experimental.pallas import tpu_sc as plsc

NOBJ = 1024
NREL = 4096
OBJ_DIM = 4096
H = 512
NCLS = 151
NRC = 51
NRCP = 128

_SC_NC = 2
_SC_NS = 16
_SC_NW = _SC_NC * _SC_NS
_BPW = NREL // _SC_NW
_CH = 32
_NCH = _BPW // _CH

_BF = jnp.bfloat16



_SC_MESH = plsc.VectorSubcoreMesh(core_axis_name="c", subcore_axis_name="s")


def _sc_front(boxp, fa, fb, g, idx_a, idx_b):
    CH = 64
    NSTREAM = 4

    @functools.partial(
        pl.kernel, mesh=_SC_MESH,
        out_type=(jax.ShapeDtypeStruct((NREL, 128), jnp.float32),
                  jax.ShapeDtypeStruct((NREL, 128), jnp.float32),
                  jax.ShapeDtypeStruct((NREL, H), jnp.float32),
                  jax.ShapeDtypeStruct((NREL, H), jnp.float32),
                  jax.ShapeDtypeStruct((NREL, H), jnp.float32),
                  jax.ShapeDtypeStruct((NREL, H), jnp.float32)),
        scratch_types=[
            pltpu.VMEM((_BPW,), jnp.int32),
            pltpu.VMEM((_BPW,), jnp.int32),
            pltpu.VMEM((64, 128), jnp.float32),
            pltpu.VMEM((CH, H), jnp.float32),
            pltpu.VMEM((CH, H), jnp.float32),
            pltpu.VMEM((CH, H), jnp.float32),
        ] + [pltpu.SemaphoreType.DMA] * 8,
    )
    def k(boxp_h, fa_h, fb_h, g_h, ia_h, ib_h,
          bs_h, bo_h, e1a_h, e1b_h, gpa_h, gpb_h,
          ia_v, ib_v, rbox_v, v0, v1, v2,
          g0, g1, g2, w0, w1, w2, s4, s5):
        base = _worker_base()
        pltpu.sync_copy(ia_h.at[pl.ds(base, _BPW)], ia_v)
        pltpu.sync_copy(ib_h.at[pl.ds(base, _BPW)], ib_v)

        bufs = (v0, v1, v2)
        gsems = (g0, g1, g2)
        wsems = (w0, w1, w2)
        xfers = []
        for tab, use_a, out in ((fa_h, True, e1a_h), (fb_h, False, e1b_h),
                                (g_h, True, gpa_h), (g_h, False, gpb_h)):
            for c in range(_BPW // CH):
                xfers.append((tab, use_a, c, out))

        n = len(xfers)
        gcp = [None] * n
        wcp = [None] * n

        def issue(i):
            tab, use_a, c, _ = xfers[i]
            idx = ia_v if use_a else ib_v
            gcp[i] = pltpu.async_copy(
                tab.at[idx.at[pl.ds(c * CH, CH)]], bufs[i % 3],
                gsems[i % 3])

        issue(0)
        issue(1)
        issue(2)
        for i in range(n):
            _, _, c, out = xfers[i]
            off = base + c * CH
            gcp[i].wait()
            wcp[i] = pltpu.async_copy(bufs[i % 3], out.at[pl.ds(off, CH)],
                                      wsems[i % 3])
            if i + 3 < n:
                wcp[i].wait()
                issue(i + 3)
        wcp[n - 3].wait()
        wcp[n - 2].wait()
        wcp[n - 1].wait()
        for idx_v, boxout in ((ia_v, bs_h), (ib_v, bo_h)):
            for hh in range(2):
                pltpu.async_copy(
                    boxp_h.at[idx_v.at[pl.ds(hh * 64, 64)]], rbox_v,
                    s4).wait()
                pltpu.sync_copy(rbox_v,
                                boxout.at[pl.ds(base + hh * 64, 64)])

    return k(boxp, fa, fb, g, idx_a, idx_b)


def _worker_base():
    wid = lax.axis_index("s") * _SC_NC + lax.axis_index("c")
    return wid * _BPW



def _node_proj_body(obj_fmaps, W_obj, b_obj, W_g1a, W_g1b, cls_embp, labels,
                    f_o, fa_o, fb_o, g_o):
    f = jnp.dot(obj_fmaps[...].astype(_BF), W_obj[...].astype(_BF),
                preferred_element_type=jnp.float32)
    f = f + b_obj[...]
    f_o[...] = f
    f16 = f.astype(_BF)
    fa_o[...] = jnp.dot(f16, W_g1a[...], preferred_element_type=jnp.float32)
    fb_o[...] = jnp.dot(f16, W_g1b[...], preferred_element_type=jnp.float32)
    lab = labels[...]
    oh = (lab == jax.lax.broadcasted_iota(jnp.int32, (NOBJ, 256), 1))
    emb = jnp.dot(oh.astype(jnp.float32), cls_embp[...],
                  preferred_element_type=jnp.float32)
    g_o[...] = emb + f


def _fold_body(W_rel, W_g1c, b_rel, b_g1, Wrc_o, crow_o):
    Wrc_o[...] = jnp.dot(W_rel[...].astype(_BF), W_g1c[...],
                         preferred_element_type=jnp.float32).astype(_BF)
    crow_o[...] = jnp.dot(b_rel[...].astype(jnp.float32),
                          W_g1c[...].astype(jnp.float32),
                          preferred_element_type=jnp.float32) + b_g1[...]


def _box_feats(bsT, boT):
    def row(t, i):
        return t[i:i + 1, :]
    sx1, sy1, sx2, sy2 = (row(bsT, i) for i in range(4))
    ox1, oy1, ox2, oy2 = (row(boT, i) for i in range(4))
    px1 = jnp.minimum(sx1, ox1)
    py1 = jnp.minimum(sy1, oy1)
    px2 = jnp.maximum(sx2, ox2)
    py2 = jnp.maximum(sy2, oy2)

    def ctr(x1, y1, x2, y2):
        return ((x1 + x2) * 0.5, (y1 + y2) * 0.5,
                (x2 - x1) * 0.5, (y2 - y1) * 0.5)

    scx, scy, sw, sh = ctr(sx1, sy1, sx2, sy2)
    ocx, ocy, ow, oh = ctr(ox1, oy1, ox2, oy2)
    pcx, pcy, pw, ph = ctr(px1, py1, px2, py2)

    def delta(a, b):
        (acx, acy, aw, ah), (bcx, bcy, bw, bh) = a, b
        return [(acx - bcx) / bw, (acy - bcy) / bh,
                jnp.log(aw / bw), jnp.log(ah * bh)]

    def c5(x1, y1, x2, y2):
        return [x1 / 592.0, y1 / 592.0, (x1 + x2) / 592.0,
                (y1 + y2) / 592.0, x2 * y2 / (592.0 ** 2)]

    rows = []
    rows += delta((scx, scy, sw, sh), (ocx, ocy, ow, oh))
    rows += delta((scx, scy, sw, sh), (pcx, pcy, pw, ph))
    rows += delta((pcx, pcy, pw, ph), (ocx, ocy, ow, oh))
    rows += c5(sx1, sy1, sx2, sy2)
    rows += c5(ox1, oy1, ox2, oy2)
    return rows


def _edge_e_body(vr, Wrc, e1a, e1b, bsT, boT, W_boxp, crow, e_o):
    vc = jnp.dot(vr[...].astype(_BF), Wrc[...],
                 preferred_element_type=jnp.float32)
    rows = _box_feats(bsT[...], boT[...])
    bfT = jnp.concatenate(rows + [jnp.zeros_like(rows[0])] * 10, axis=0)
    bfW = jax.lax.dot_general(bfT, W_boxp[...], (((0,), (0,)), ((), ())),
                              preferred_element_type=jnp.float32)
    e_o[...] = jax.nn.relu(vc + e1a[...] + e1b[...] + bfW + crow[...])


def _seg_node_body(sub_row, obj_row, e, W, out_o, *, bn):
    n0 = pl.program_id(0) * bn
    ids = jax.lax.broadcasted_iota(jnp.int32, (bn, NREL), 0) + n0
    pt = ((ids == sub_row[0:1, :]).astype(_BF)
          + (ids == obj_row[0:1, :]).astype(_BF))
    agg = jnp.dot(pt, e[...].astype(_BF), preferred_element_type=jnp.float32)
    out_o[...] = jax.nn.relu(
        jnp.dot(agg.astype(_BF), W[...],
                preferred_element_type=jnp.float32)).astype(_BF)


def _edge_update_body(idx_a, idx_b, node, e, W_outp, e2_o, l_o):
    ia = idx_a[...]
    ib = idx_b[...]
    ids = jax.lax.broadcasted_iota(jnp.int32, (ia.shape[0], NOBJ), 1)
    p = ((ia == ids).astype(_BF) + (ib == ids).astype(_BF))
    np_ = jnp.dot(p, node[...], preferred_element_type=jnp.float32)
    e2 = jax.nn.relu(e[...] + np_)
    e2_o[...] = e2
    l_o[...] = jnp.dot(e2.astype(_BF), W_outp[...],
                       preferred_element_type=jnp.float32)


def _edge_l_body(idx_a, idx_b, node, e, W_outp, l_o):
    ia = idx_a[...]
    ib = idx_b[...]
    ids = jax.lax.broadcasted_iota(jnp.int32, (ia.shape[0], NOBJ), 1)
    p = ((ia == ids).astype(_BF) + (ib == ids).astype(_BF))
    np_ = jnp.dot(p, node[...], preferred_element_type=jnp.float32)
    e3 = jax.nn.relu(e[...] + np_)
    l_o[...] = jnp.dot(e3.astype(_BF), W_outp[...],
                       preferred_element_type=jnp.float32)


def _hh_body(gpa, gpb, bpT, W_bp, W_voutp, l1, lv_o, rel0_o):
    bpW = jax.lax.dot_general(bpT[...], W_bp[...], (((0,), (0,)), ((), ())),
                              preferred_element_type=jnp.float32)
    hh = jax.nn.relu(gpa[...] + gpb[...] + bpW)
    lv = jnp.dot(hh.astype(_BF), W_voutp[...],
                 preferred_element_type=jnp.float32)
    lv_o[...] = lv
    rel0_o[...] = l1[...] + lv


def _f32(shape):
    return jax.ShapeDtypeStruct(shape, jnp.float32)


def _bf16(shape):
    return jax.ShapeDtypeStruct(shape, _BF)


def kernel(obj_fmaps, obj_logits, rel_inds, vr, obj_labels, bboxes,
           obj_logits_fc, W_obj, b_obj, W_rel, b_rel, W_g1, W_box, b_g1,
           W_n1, W_n2, W_out1, W_out2, cls_emb, W_b, W_vout):
    sub = rel_inds[:, 1]
    objn = rel_inds[:, 2]
    sub2d = sub.reshape(NREL, 1)
    obj2d = objn.reshape(NREL, 1)
    sub_row = jnp.broadcast_to(sub[None, :], (8, NREL))
    obj_row = jnp.broadcast_to(objn[None, :], (8, NREL))
    lab2d = obj_labels.reshape(NOBJ, 1)

    W_g1a = W_g1[:H].astype(_BF)
    W_g1b = W_g1[H:2 * H].astype(_BF)
    W_g1c = W_g1[2 * H:].astype(_BF)
    W_n1_16 = W_n1.astype(_BF)
    W_n2_16 = W_n2.astype(_BF)
    cls_embp = jnp.zeros((256, H), jnp.float32).at[:NCLS].set(cls_emb)
    W_boxp = jnp.zeros((32, H), jnp.float32).at[:22].set(W_box)
    W_out1p = jnp.zeros((H, NRCP), _BF).at[:, :NRC].set(W_out1.astype(_BF))
    W_out2p = jnp.zeros((H, NRCP), _BF).at[:, :NRC].set(W_out2.astype(_BF))
    W_voutp = jnp.zeros((H, NRCP), _BF).at[:, :NRC].set(W_vout.astype(_BF))
    W_bp = jnp.zeros((16, H), jnp.float32).at[:8].set(W_b)
    boxp = jnp.zeros((NOBJ, 128), jnp.float32).at[:, :4].set(bboxes)
    b_obj_r = b_obj.reshape(1, H)
    b_rel_r = b_rel.reshape(1, H)
    b_g1_r = b_g1.reshape(1, H)

    f, fa, fb, g = pl.pallas_call(
        _node_proj_body,
        out_shape=(_f32((NOBJ, H)),) * 4,
    )(obj_fmaps, W_obj, b_obj_r, W_g1a, W_g1b, cls_embp, lab2d)

    bsg, bog, e1a, e1b, gpa, gpb = _sc_front(boxp, fa, fb, g, sub, objn)
    bsT = bsg[:, :16].T
    boT = bog[:, :16].T
    bpT = jnp.concatenate([bsT[:4], boT[:4],
                           jnp.zeros((8, NREL), jnp.float32)], 0) / 592.0

    Wrc, crow = pl.pallas_call(
        _fold_body,
        out_shape=(_bf16((OBJ_DIM, H)), _f32((1, H))),
    )(W_rel, W_g1c, b_rel_r, b_g1_r)

    BM = 512
    e = pl.pallas_call(
        _edge_e_body,
        grid=(NREL // BM,),
        in_specs=[pl.BlockSpec((BM, OBJ_DIM), lambda i: (i, 0)),
                  pl.BlockSpec((OBJ_DIM, H), lambda i: (0, 0)),
                  pl.BlockSpec((BM, H), lambda i: (i, 0)),
                  pl.BlockSpec((BM, H), lambda i: (i, 0)),
                  pl.BlockSpec((16, BM), lambda i: (0, i)),
                  pl.BlockSpec((16, BM), lambda i: (0, i)),
                  pl.BlockSpec((32, H), lambda i: (0, 0)),
                  pl.BlockSpec((1, H), lambda i: (0, 0))],
        out_specs=pl.BlockSpec((BM, H), lambda i: (i, 0)),
        out_shape=_f32((NREL, H)),
    )(vr, Wrc, e1a, e1b, bsT, boT, W_boxp, crow)

    BN = 512
    seg_node = pl.pallas_call(
        functools.partial(_seg_node_body, bn=BN),
        grid=(NOBJ // BN,),
        in_specs=[pl.BlockSpec((8, NREL), lambda i: (0, 0)),
                  pl.BlockSpec((8, NREL), lambda i: (0, 0)),
                  pl.BlockSpec((NREL, H), lambda i: (0, 0)),
                  pl.BlockSpec((H, H), lambda i: (0, 0))],
        out_specs=pl.BlockSpec((BN, H), lambda i: (i, 0)),
        out_shape=_bf16((NOBJ, H)),
    )
    node = seg_node(sub_row, obj_row, e, W_n1_16)

    BE = 1024
    edge_update = pl.pallas_call(
        _edge_update_body,
        grid=(NREL // BE,),
        in_specs=[pl.BlockSpec((BE, 1), lambda i: (i, 0)),
                  pl.BlockSpec((BE, 1), lambda i: (i, 0)),
                  pl.BlockSpec((NOBJ, H), lambda i: (0, 0)),
                  pl.BlockSpec((BE, H), lambda i: (i, 0)),
                  pl.BlockSpec((H, NRCP), lambda i: (0, 0))],
        out_specs=(pl.BlockSpec((BE, H), lambda i: (i, 0)),
                   pl.BlockSpec((BE, NRCP), lambda i: (i, 0))),
        out_shape=(_f32((NREL, H)), _f32((NREL, NRCP))),
    )
    e2, l1p = edge_update(sub2d, obj2d, node, e, W_out1p)

    node2 = seg_node(sub_row, obj_row, e2, W_n2_16)

    l2p = pl.pallas_call(
        _edge_l_body,
        grid=(NREL // BE,),
        in_specs=[pl.BlockSpec((BE, 1), lambda i: (i, 0)),
                  pl.BlockSpec((BE, 1), lambda i: (i, 0)),
                  pl.BlockSpec((NOBJ, H), lambda i: (0, 0)),
                  pl.BlockSpec((BE, H), lambda i: (i, 0)),
                  pl.BlockSpec((H, NRCP), lambda i: (0, 0))],
        out_specs=pl.BlockSpec((BE, NRCP), lambda i: (i, 0)),
        out_shape=_f32((NREL, NRCP)),
    )(sub2d, obj2d, node2, e2, W_out2p)

    lvp, rel0p = pl.pallas_call(
        _hh_body,
        grid=(NREL // BE,),
        in_specs=[pl.BlockSpec((BE, H), lambda i: (i, 0)),
                  pl.BlockSpec((BE, H), lambda i: (i, 0)),
                  pl.BlockSpec((16, BE), lambda i: (0, i)),
                  pl.BlockSpec((16, H), lambda i: (0, 0)),
                  pl.BlockSpec((H, NRCP), lambda i: (0, 0)),
                  pl.BlockSpec((BE, NRCP), lambda i: (i, 0))],
        out_specs=(pl.BlockSpec((BE, NRCP), lambda i: (i, 0)),
                   pl.BlockSpec((BE, NRCP), lambda i: (i, 0))),
        out_shape=(_f32((NREL, NRCP)), _f32((NREL, NRCP))),
    )(gpa, gpb, bpT, W_bp, W_voutp, l1p)

    rel0 = rel0p[:, :NRC]
    l2 = l2p[:, :NRC]
    lv = lvp[:, :NRC]
    return (obj_logits, obj_labels, rel0, l2, lv)

# --- scband reference (transcript-rebuilt; emitter-appended) ---
"""Pipeline reference for scband-ggnnrel-reason-77129022701589 (READ-ONLY COPY).

The authoritative reference and input builder live on the scoring server;
editing this copy changes nothing except your own understanding.
"""

import jax, jax.numpy as jnp
import numpy as np

NOBJ = 1024
NREL = 4096
OBJ_DIM = 4096
H = 512
NCLS = 151
NRC = 51


def _box_tools(boxes, sub, obj):
    bs = boxes[sub]
    bo = boxes[obj]
    px1 = jnp.minimum(bs[:, 0], bo[:, 0])
    py1 = jnp.minimum(bs[:, 1], bo[:, 1])
    px2 = jnp.maximum(bs[:, 2], bo[:, 2])
    py2 = jnp.maximum(bs[:, 3], bo[:, 3])

    def ctr(b):
        return jnp.stack([(b[:, 0] + b[:, 2]) / 2, (b[:, 1] + b[:, 3]) / 2,
                          (b[:, 2] - b[:, 0]) / 2, (b[:, 3] - b[:, 1]) / 2], 1)

    s_ = ctr(bs)
    o_ = ctr(bo)
    p_ = jnp.stack([(px1 + px2) / 2, (py1 + py2) / 2, (px2 - px1) / 2, (py2 - py1) / 2], 1)

    def delta(a, b):
        return jnp.stack([(a[:, 0] - b[:, 0]) / b[:, 2], (a[:, 1] - b[:, 1]) / b[:, 3],
                          jnp.log(a[:, 2] / b[:, 2]), jnp.log(a[:, 3] * b[:, 3])], 1)

    dso = delta(s_, o_)
    dsp = delta(s_, p_)
    dpo = delta(p_, o_)

    def c5(b):
        return jnp.stack([b[:, 0] / 592.0, b[:, 1] / 592.0, (b[:, 0] + b[:, 2]) / 592.0,
                          (b[:, 1] + b[:, 3]) / 592.0, b[:, 2] * b[:, 3] / 592.0 ** 2], 1)

    return jnp.concatenate([dso, dsp, dpo, c5(bs), c5(bo)], 1)


def setup_inputs(seed: int = 0):
    key = jax.random.key(seed)
    ks = jax.random.split(key, 24)
    obj_fmaps = jax.random.normal(ks[0], (NOBJ, OBJ_DIM), jnp.float32)
    obj_logits = jax.random.normal(ks[1], (NOBJ, NCLS), jnp.float32)
    rel_inds = jax.random.randint(ks[2], (NREL, 3), 0, NOBJ, jnp.int32)
    vr = jax.random.normal(ks[3], (NREL, OBJ_DIM), jnp.float32)
    obj_labels = jax.random.randint(ks[4], (NOBJ,), 0, NCLS, jnp.int32)
    x1 = jax.random.uniform(ks[5], (NOBJ,), minval=0.0, maxval=480.0)
    y1 = jax.random.uniform(ks[6], (NOBJ,), minval=0.0, maxval=480.0)
    w = jax.random.uniform(ks[7], (NOBJ,), minval=8.0, maxval=100.0)
    h = jax.random.uniform(ks[8], (NOBJ,), minval=8.0, maxval=100.0)
    bboxes = jnp.stack([x1, y1, x1 + w, y1 + h], 1)
    obj_logits_fc = jax.random.normal(ks[9], (NOBJ, NCLS), jnp.float32)
    sc = 0.02
    W_obj = jax.random.normal(ks[10], (OBJ_DIM, H), jnp.float32) * sc
    b_obj = jnp.zeros((H,), jnp.float32)
    W_rel = jax.random.normal(ks[11], (OBJ_DIM, H), jnp.float32) * sc
    b_rel = jnp.zeros((H,), jnp.float32)
    W_g1 = jax.random.normal(ks[12], (3 * H, H), jnp.float32) * sc
    W_box = jax.random.normal(ks[13], (22, H), jnp.float32) * sc
    b_g1 = jnp.zeros((H,), jnp.float32)
    W_n1 = jax.random.normal(ks[14], (H, H), jnp.float32) * sc
    W_n2 = jax.random.normal(ks[15], (H, H), jnp.float32) * sc
    W_out1 = jax.random.normal(ks[16], (H, NRC), jnp.float32) * sc
    W_out2 = jax.random.normal(ks[17], (H, NRC), jnp.float32) * sc
    cls_emb = jax.random.normal(ks[18], (NCLS, H), jnp.float32) * sc
    W_b = jax.random.normal(ks[19], (8, H), jnp.float32) * sc
    W_vout = jax.random.normal(ks[20], (H, NRC), jnp.float32) * sc
    return {"obj_fmaps": obj_fmaps, "obj_logits": obj_logits, "rel_inds": rel_inds, "vr": vr,
            "obj_labels": obj_labels, "bboxes": bboxes, "obj_logits_fc": obj_logits_fc,
            "W_obj": W_obj, "b_obj": b_obj, "W_rel": W_rel, "b_rel": b_rel, "W_g1": W_g1,
            "W_box": W_box, "b_g1": b_g1, "W_n1": W_n1, "W_n2": W_n2, "W_out1": W_out1,
            "W_out2": W_out2, "cls_emb": cls_emb, "W_b": W_b, "W_vout": W_vout}


def reference(obj_fmaps, obj_logits, rel_inds, vr, obj_labels, bboxes, obj_logits_fc,
              W_obj, b_obj, W_rel, b_rel, W_g1, W_box, b_g1, W_n1, W_n2,
              W_out1, W_out2, cls_emb, W_b, W_vout):
    sub = rel_inds[:, 1]
    objn = rel_inds[:, 2]
    # sgcls mode with labels: obj_dists2 = obj_logits, obj_preds = obj_labels
    obj_preds = obj_labels
    f = obj_fmaps @ W_obj + b_obj          # obj_proj
    v = vr @ W_rel + b_rel                  # rel_proj
    ig = jnp.concatenate([f[sub], f[objn], v], 1)   # input_ggnn [E, 3H]
    bf = _box_tools(bboxes, sub, objn)               # [E, 22]
    N = f.shape[0]
    # ResGCN: two residual graph-conv layers over the relation graph
    e = jax.nn.relu(ig @ W_g1 + bf @ W_box + b_g1)
    agg = jax.ops.segment_sum(e, sub, num_segments=N) + jax.ops.segment_sum(e, objn, num_segments=N)
    node = jax.nn.relu(agg @ W_n1)
    e2 = jax.nn.relu(e + node[sub] + node[objn])
    l1 = e2 @ W_out1
    agg2 = jax.ops.segment_sum(e2, sub, num_segments=N) + jax.ops.segment_sum(e2, objn, num_segments=N)
    node2 = jax.nn.relu(agg2 @ W_n2)
    e3 = jax.nn.relu(e2 + node2[sub] + node2[objn])
    l2 = e3 @ W_out2
    # ResGCN_V: class-embedding + visual + box branch
    bp = jnp.concatenate([bboxes[sub], bboxes[objn]], 1) / 592.0
    hh = jax.nn.relu(cls_emb[obj_preds[sub]] + cls_emb[obj_preds[objn]] + f[sub] + f[objn] + bp @ W_b)
    lv = hh @ W_vout
    rel0 = l1 + lv
    return (obj_logits, obj_preds, rel0, l2, lv)

if __name__ == "__main__":
    import jax
    _d = setup_inputs()
    print(jax.jit(kernel)(*tuple(_d.values())))

</pallas_src>

<mosaic_0001>
#map = affine_map<(d0, d1) -> (0, 0)>
#map1 = affine_map<(d0, d1) -> (0)>
module attributes {stable_mosaic.version = 14 : i64} {
  func.func @k(%arg0: i32, %arg1: i32, %arg2: memref<1024x128xf32, #tpu.memory_space<hbm>>, %arg3: memref<1024x512xf32, #tpu.memory_space<hbm>>, %arg4: memref<1024x512xf32, #tpu.memory_space<hbm>>, %arg5: memref<1024x512xf32, #tpu.memory_space<hbm>>, %arg6: memref<4096xi32, #tpu.memory_space<hbm>>, %arg7: memref<4096xi32, #tpu.memory_space<hbm>>, %arg8: memref<4096x128xf32, #tpu.memory_space<hbm>>, %arg9: memref<4096x128xf32, #tpu.memory_space<hbm>>, %arg10: memref<4096x512xf32, #tpu.memory_space<hbm>>, %arg11: memref<4096x512xf32, #tpu.memory_space<hbm>>, %arg12: memref<4096x512xf32, #tpu.memory_space<hbm>>, %arg13: memref<4096x512xf32, #tpu.memory_space<hbm>>, %arg14: memref<128xi32, #tpu.memory_space<vmem>>, %arg15: memref<128xi32, #tpu.memory_space<vmem>>, %arg16: memref<64x128xf32, #tpu.memory_space<vmem>>, %arg17: memref<64x512xf32, #tpu.memory_space<vmem>>, %arg18: memref<64x512xf32, #tpu.memory_space<vmem>>, %arg19: memref<64x512xf32, #tpu.memory_space<vmem>>, %arg20: memref<!tpu.dma_semaphore, #tpu.memory_space<semaphore_mem>>, %arg21: memref<!tpu.dma_semaphore, #tpu.memory_space<semaphore_mem>>, %arg22: memref<!tpu.dma_semaphore, #tpu.memory_space<semaphore_mem>>, %arg23: memref<!tpu.dma_semaphore, #tpu.memory_space<semaphore_mem>>, %arg24: memref<!tpu.dma_semaphore, #tpu.memory_space<semaphore_mem>>, %arg25: memref<!tpu.dma_semaphore, #tpu.memory_space<semaphore_mem>>, %arg26: memref<!tpu.dma_semaphore, #tpu.memory_space<semaphore_mem>>, %arg27: memref<!tpu.dma_semaphore, #tpu.memory_space<semaphore_mem>>) attributes {dimension_semantics = [#tpu.dimension_semantics<core_parallel>, #tpu.dimension_semantics<subcore_parallel>], iteration_bounds = array<i64: 2, 16>, scalar_prefetch = 0 : i64, scratch_operands = 14 : i64, tpu.core_type = #tpu.core_type<sc_vector_subcore>, window_params = [{transform_indices = #map}, {transform_indices = #map}, {transform_indices = #map}, {transform_indices = #map}, {transform_indices = #map1}, {transform_indices = #map1}, {transform_indices = #map}, {transform_indices = #map}, {transform_indices = #map}, {transform_indices = #map}, {transform_indices = #map}, {transform_indices = #map}]} {
    %mul3A = arith.constant 2 : i32
    %mul3A_0 = arith.muli %arg1, %mul3A : i32
    %add3A = arith.addi %mul3A_0, %arg0 : i32
    %mul3A_1 = arith.constant 128 : i32
    %mul3A_2 = arith.muli %add3A, %mul3A_1 : i32
    "tpu.region"() ({
      %run_scoped3A = tpu.sem_alloc : memref<!tpu.dma_semaphore, #tpu.memory_space<semaphore_mem>>
      %dma_start3A_209 = tpu.memref_slice %arg6[%mul3A_2] : memref<4096xi32, #tpu.memory_space<hbm>> -> memref<128xi32, #tpu.memory_space<hbm>>
      %dma_start3A_210 = tpu.memref_slice %arg6[%mul3A_2] : memref<4096xi32, #tpu.memory_space<hbm>> -> memref<128xi32, #tpu.memory_space<hbm>>
      tpu.enqueue_dma source(%dma_start3A_210 : memref<128xi32, #tpu.memory_space<hbm>>) target(%arg14 : memref<128xi32, #tpu.memory_space<vmem>>) target_semaphore(%run_scoped3A : memref<!tpu.dma_semaphore, #tpu.memory_space<semaphore_mem>>)
      %dma_wait3A_211 = tpu.memref_slice %arg6[%mul3A_2] : memref<4096xi32, #tpu.memory_space<hbm>> -> memref<128xi32, #tpu.memory_space<hbm>>
      %dma_wait3A_212 = tpu.memref_slice %arg6[%mul3A_2] : memref<4096xi32, #tpu.memory_space<hbm>> -> memref<128xi32, #tpu.memory_space<hbm>>
      tpu.wait_dma2 semaphore(%run_scoped3A : memref<!tpu.dma_semaphore, #tpu.memory_space<semaphore_mem>>) src(%dma_wait3A_212 : memref<128xi32, #tpu.memory_space<hbm>>) dst(%arg14 : memref<128xi32, #tpu.memory_space<vmem>>)
      tpu.yield
    }) : () -> ()
    "tpu.region"() ({
      %run_scoped3A = tpu.sem_alloc : memref<!tpu.dma_semaphore, #tpu.memory_space<semaphore_mem>>
      %dma_start3A_209 = tpu.memref_slice %arg7[%mul3A_2] : memref<4096xi32, #tpu.memory_space<hbm>> -> memref<128xi32, #tpu.memory_space<hbm>>
      %dma_start3A_210 = tpu.memref_slice %arg7[%mul3A_2] : memref<4096xi32, #tpu.memory_space<hbm>> -> memref<128xi32, #tpu.memory_space<hbm>>
      tpu.enqueue_dma source(%dma_start3A_210 : memref<128xi32, #tpu.memory_space<hbm>>) target(%arg15 : memref<128xi32, #tpu.memory_space<vmem>>) target_semaphore(%run_scoped3A : memref<!tpu.dma_semaphore, #tpu.memory_space<semaphore_mem>>)
      %dma_wait3A_211 = tpu.memref_slice %arg7[%mul3A_2] : memref<4096xi32, #tpu.memory_space<hbm>> -> memref<128xi32, #tpu.memory_space<hbm>>
      %dma_wait3A_212 = tpu.memref_slice %arg7[%mul3A_2] : memref<4096xi32, #tpu.memory_space<hbm>> -> memref<128xi32, #tpu.memory_space<hbm>>
      tpu.wait_dma2 semaphore(%run_scoped3A : memref<!tpu.dma_semaphore, #tpu.memory_space<semaphore_mem>>) src(%dma_wait3A_212 : memref<128xi32, #tpu.memory_space<hbm>>) dst(%arg15 : memref<128xi32, #tpu.memory_space<vmem>>)
      tpu.yield
    }) : () -> ()
    %dma_start3A = arith.constant 0 : i32
    %dma_start3A_3 = tpu.memref_slice %arg14[%dma_start3A] : memref<128xi32, #tpu.memory_space<vmem>> -> memref<64xi32, #tpu.memory_space<vmem>>
    %dma_start3A_4 = arith.constant 0 : i32
    %dma_start3A_5 = arith.constant 0 : i32
    %dma_start3A_6 = tpu.memref_slice %arg3[%dma_start3A_4, %dma_start3A_5] : memref<1024x512xf32, #tpu.memory_space<hbm>> -> memref<1024x512xf32, #tpu.memory_space<hbm>>
    tpu.enqueue_indirect_dma source(%dma_start3A_6 : memref<1024x512xf32, #tpu.memory_space<hbm>>) target(%arg17 : memref<64x512xf32, #tpu.memory_space<vmem>>) offsets(%dma_start3A_3 : memref<64xi32, #tpu.memory_space<vmem>>) semaphore(%arg20 : memref<!tpu.dma_semaphore, #tpu.memory_space<semaphore_mem>>)
    %dma_start3A_7 = arith.constant 64 : i32
    %dma_start3A_8 = tpu.memref_slice %arg14[%dma_start3A_7] : memref<128xi32, #tpu.memory_space<vmem>> -> memref<64xi32, #tpu.memory_space<vmem>>
    %dma_start3A_9 = arith.constant 0 : i32
    %dma_start3A_10 = arith.constant 0 : i32
    %dma_start3A_11 = tpu.memref_slice %arg3[%dma_start3A_9, %dma_start3A_10] : memref<1024x512xf32, #tpu.memory_space<hbm>> -> memref<1024x512xf32, #tpu.memory_space<hbm>>
    tpu.enqueue_indirect_dma source(%dma_start3A_11 : memref<1024x512xf32, #tpu.memory_space<hbm>>) target(%arg18 : memref<64x512xf32, #tpu.memory_space<vmem>>) offsets(%dma_start3A_8 : memref<64xi32, #tpu.memory_space<vmem>>) semaphore(%arg21 : memref<!tpu.dma_semaphore, #tpu.memory_space<semaphore_mem>>)
    %dma_start3A_12 = arith.constant 0 : i32
    %dma_start3A_13 = tpu.memref_slice %arg15[%dma_start3A_12] : memref<128xi32, #tpu.memory_space<vmem>> -> memref<64xi32, #tpu.memory_space<vmem>>
    %dma_start3A_14 = arith.constant 0 : i32
    %dma_start3A_15 = arith.constant 0 : i32
    %dma_start3A_16 = tpu.memref_slice %arg4[%dma_start3A_14, %dma_start3A_15] : memref<1024x512xf32, #tpu.memory_space<hbm>> -> memref<1024x512xf32, #tpu.memory_space<hbm>>
    tpu.enqueue_indirect_dma source(%dma_start3A_16 : memref<1024x512xf32, #tpu.memory_space<hbm>>) target(%arg19 : memref<64x512xf32, #tpu.memory_space<vmem>>) offsets(%dma_start3A_13 : memref<64xi32, #tpu.memory_space<vmem>>) semaphore(%arg22 : memref<!tpu.dma_semaphore, #tpu.memory_space<semaphore_mem>>)
    %add3A_17 = arith.constant 0 : i32
    %add3A_18 = arith.addi %mul3A_2, %add3A_17 : i32
    %dma_wait3A = arith.constant 0 : i32
    %dma_wait3A_19 = tpu.memref_slice %arg14[%dma_wait3A] : memref<128xi32, #tpu.memory_space<vmem>> -> memref<64xi32, #tpu.memory_space<vmem>>
    %dma_wait3A_20 = arith.constant 0 : i32
    %dma_wait3A_21 = arith.constant 0 : i32
    %dma_wait3A_22 = tpu.memref_slice %arg3[%dma_wait3A_20, %dma_wait3A_21] : memref<1024x512xf32, #tpu.memory_space<hbm>> -> memref<1024x512xf32, #tpu.memory_space<hbm>>
    tpu.wait_indirect_dma semaphore(%arg20 : memref<!tpu.dma_semaphore, #tpu.memory_space<semaphore_mem>>) src(%dma_wait3A_22 : memref<1024x512xf32, #tpu.memory_space<hbm>>) dst(%arg17 : memref<64x512xf32, #tpu.memory_space<vmem>>)
    %dma_start3A_23 = arith.constant 0 : i32
    %dma_start3A_24 = tpu.memref_slice %arg10[%add3A_18, %dma_start3A_23] : memref<4096x512xf32, #tpu.memory_space<hbm>> -> memref<64x512xf32, #tpu.memory_space<hbm>>
    %dma_start3A_25 = arith.constant 0 : i32
    %dma_start3A_26 = tpu.memref_slice %arg10[%add3A_18, %dma_start3A_25] : memref<4096x512xf32, #tpu.memory_space<hbm>> -> memref<64x512xf32, #tpu.memory_space<hbm>>
    tpu.enqueue_dma source(%arg17 : memref<64x512xf32, #tpu.memory_space<vmem>>) target(%dma_start3A_26 : memref<64x512xf32, #tpu.memory_space<hbm>>) target_semaphore(%arg23 : memref<!tpu.dma_semaphore, #tpu.memory_space<semaphore_mem>>)
    %dma_wait3A_27 = arith.constant 0 : i32
    %dma_wait3A_28 = tpu.memref_slice %arg10[%add3A_18, %dma_wait3A_27] : memref<4096x512xf32, #tpu.memory_space<hbm>> -> memref<64x512xf32, #tpu.memory_space<hbm>>
    %dma_wait3A_29 = arith.constant 0 : i32
    %dma_wait3A_30 = tpu.memref_slice %arg10[%add3A_18, %dma_wait3A_29] : memref<4096x512xf32, #tpu.memory_space<hbm>> -> memref<64x512xf32, #tpu.memory_space<hbm>>
    tpu.wait_dma2 semaphore(%arg23 : memref<!tpu.dma_semaphore, #tpu.memory_space<semaphore_mem>>) src(%arg17 : memref<64x512xf32, #tpu.memory_space<vmem>>) dst(%dma_wait3A_30 : memref<64x512xf32, #tpu.memory_space<hbm>>)
    %dma_start3A_31 = arith.constant 64 : i32
    %dma_start3A_32 = tpu.memref_slice %arg15[%dma_start3A_31] : memref<128xi32, #tpu.memory_space<vmem>> -> memref<64xi32, #tpu.memory_space<vmem>>
    %dma_start3A_33 = arith.constant 0 : i32
    %dma_start3A_34 = arith.constant 0 : i32
    %dma_start3A_35 = tpu.memref_slice %arg4[%dma_start3A_33, %dma_start3A_34] : memref<1024x512xf32, #tpu.memory_space<hbm>> -> memref<1024x512xf32, #tpu.memory_space<hbm>>
    tpu.enqueue_indirect_dma source(%dma_start3A_35 : memref<1024x512xf32, #tpu.memory_space<hbm>>) target(%arg17 : memref<64x512xf32, #tpu.memory_space<vmem>>) offsets(%dma_start3A_32 : memref<64xi32, #tpu.memory_space<vmem>>) semaphore(%arg20 : memref<!tpu.dma_semaphore, #tpu.memory_space<semaphore_mem>>)
    %add3A_36 = arith.constant 64 : i32
    %add3A_37 = arith.addi %mul3A_2, %add3A_36 : i32
    %dma_wait3A_38 = arith.constant 64 : i32
    %dma_wait3A_39 = tpu.memref_slice %arg14[%dma_wait3A_38] : memref<128xi32, #tpu.memory_space<vmem>> -> memref<64xi32, #tpu.memory_space<vmem>>
    %dma_wait3A_40 = arith.constant 0 : i32
    %dma_wait3A_41 = arith.constant 0 : i32
    %dma_wait3A_42 = tpu.memref_slice %arg3[%dma_wait3A_40, %dma_wait3A_41] : memref<1024x512xf32, #tpu.memory_space<hbm>> -> memref<1024x512xf32, #tpu.memory_space<hbm>>
    tpu.wait_indirect_dma semaphore(%arg21 : memref<!tpu.dma_semaphore, #tpu.memory_space<semaphore_mem>>) src(%dma_wait3A_42 : memref<1024x512xf32, #tpu.memory_space<hbm>>) dst(%arg18 : memref<64x512xf32, #tpu.memory_space<vmem>>)
    %dma_start3A_43 = arith.constant 0 : i32
    %dma_start3A_44 = tpu.memref_slice %arg10[%add3A_37, %dma_start3A_43] : memref<4096x512xf32, #tpu.memory_space<hbm>> -> memref<64x512xf32, #tpu.memory_space<hbm>>
    %dma_start3A_45 = arith.constant 0 : i32
    %dma_start3A_46 = tpu.memref_slice %arg10[%add3A_37, %dma_start3A_45] : memref<4096x512xf32, #tpu.memory_space<hbm>> -> memref<64x512xf32, #tpu.memory_space<hbm>>
    tpu.enqueue_dma source(%arg18 : memref<64x512xf32, #tpu.memory_space<vmem>>) target(%dma_start3A_46 : memref<64x512xf32, #tpu.memory_space<hbm>>) target_semaphore(%arg24 : memref<!tpu.dma_semaphore, #tpu.memory_space<semaphore_mem>>)
    %dma_wait3A_47 = arith.constant 0 : i32
    %dma_wait3A_48 = tpu.memref_slice %arg10[%add3A_37, %dma_wait3A_47] : memref<4096x512xf32, #tpu.memory_space<hbm>> -> memref<64x512xf32, #tpu.memory_space<hbm>>
    %dma_wait3A_49 = arith.constant 0 : i32
    %dma_wait3A_50 = tpu.memref_slice %arg10[%add3A_37, %dma_wait3A_49] : memref<4096x512xf32, #tpu.memory_space<hbm>> -> memref<64x512xf32, #tpu.memory_space<hbm>>
    tpu.wait_dma2 semaphore(%arg24 : memref<!tpu.dma_semaphore, #tpu.memory_space<semaphore_mem>>) src(%arg18 : memref<64x512xf32, #tpu.memory_space<vmem>>) dst(%dma_wait3A_50 : memref<64x512xf32, #tpu.memory_space<hbm>>)
    %dma_start3A_51 = arith.constant 0 : i32
    %dma_start3A_52 = tpu.memref_slice %arg14[%dma_start3A_51] : memref<128xi32, #tpu.memory_space<vmem>> -> memref<64xi32, #tpu.memory_space<vmem>>
    %dma_start3A_53 = arith.constant 0 : i32
    %dma_start3A_54 = arith.constant 0 : i32
    %dma_start3A_55 = tpu.memref_slice %arg5[%dma_start3A_53, %dma_start3A_54] : memref<1024x512xf32, #tpu.memory_space<hbm>> -> memref<1024x512xf32, #tpu.memory_space<hbm>>
    tpu.enqueue_indirect_dma source(%dma_start3A_55 : memref<1024x512xf32, #tpu.memory_space<hbm>>) target(%arg18 : memref<64x512xf32, #tpu.memory_space<vmem>>) offsets(%dma_start3A_52 : memref<64xi32, #tpu.memory_space<vmem>>) semaphore(%arg21 : memref<!tpu.dma_semaphore, #tpu.memory_space<semaphore_mem>>)
    %add3A_56 = arith.constant 0 : i32
    %add3A_57 = arith.addi %mul3A_2, %add3A_56 : i32
    %dma_wait3A_58 = arith.constant 0 : i32
    %dma_wait3A_59 = tpu.memref_slice %arg15[%dma_wait3A_58] : memref<128xi32, #tpu.memory_space<vmem>> -> memref<64xi32, #tpu.memory_space<vmem>>
    %dma_wait3A_60 = arith.constant 0 : i32
    %dma_wait3A_61 = arith.constant 0 : i32
    %dma_wait3A_62 = tpu.memref_slice %arg4[%dma_wait3A_60, %dma_wait3A_61] : memref<1024x512xf32, #tpu.memory_space<hbm>> -> memref<1024x512xf32, #tpu.memory_space<hbm>>
    tpu.wait_indirect_dma semaphore(%arg22 : memref<!tpu.dma_semaphore, #tpu.memory_space<semaphore_mem>>) src(%dma_wait3A_62 : memref<1024x512xf32, #tpu.memory_space<hbm>>) dst(%arg19 : memref<64x512xf32, #tpu.memory_space<vmem>>)
    %dma_start3A_63 = arith.constant 0 : i32
    %dma_start3A_64 = tpu.memref_slice %arg11[%add3A_57, %dma_start3A_63] : memref<4096x512xf32, #tpu.memory_space<hbm>> -> memref<64x512xf32, #tpu.memory_space<hbm>>
    %dma_start3A_65 = arith.constant 0 : i32
    %dma_start3A_66 = tpu.memref_slice %arg11[%add3A_57, %dma_start3A_65] : memref<4096x512xf32, #tpu.memory_space<hbm>> -> memref<64x512xf32, #tpu.memory_space<hbm>>
    tpu.enqueue_dma source(%arg19 : memref<64x512xf32, #tpu.memory_space<vmem>>) target(%dma_start3A_66 : memref<64x512xf32, #tpu.memory_space<hbm>>) target_semaphore(%arg25 : memref<!tpu.dma_semaphore, #tpu.memory_space<semaphore_mem>>)
    %dma_wait3A_67 = arith.constant 0 : i32
    %dma_wait3A_68 = tpu.memref_slice %arg11[%add3A_57, %dma_wait3A_67] : memref<4096x512xf32, #tpu.memory_space<hbm>> -> memref<64x512xf32, #tpu.memory_space<hbm>>
    %dma_wait3A_69 = arith.constant 0 : i32
    %dma_wait3A_70 = tpu.memref_slice %arg11[%add3A_57, %dma_wait3A_69] : memref<4096x512xf32, #tpu.memory_space<hbm>> -> memref<64x512xf32, #tpu.memory_space<hbm>>
    tpu.wait_dma2 semaphore(%arg25 : memref<!tpu.dma_semaphore, #tpu.memory_space<semaphore_mem>>) src(%arg19 : memref<64x512xf32, #tpu.memory_space<vmem>>) dst(%dma_wait3A_70 : memref<64x512xf32, #tpu.memory_space<hbm>>)
    %dma_start3A_71 = arith.constant 64 : i32
    %dma_start3A_72 = tpu.memref_slice %arg14[%dma_start3A_71] : memref<128xi32, #tpu.memory_space<vmem>> -> memref<64xi32, #tpu.memory_space<vmem>>
    %dma_start3A_73 = arith.constant 0 : i32
    %dma_start3A_74 = arith.constant 0 : i32
    %dma_start3A_75 = tpu.memref_slice %arg5[%dma_start3A_73, %dma_start3A_74] : memref<1024x512xf32, #tpu.memory_space<hbm>> -> memref<1024x512xf32, #tpu.memory_space<hbm>>
    tpu.enqueue_indirect_dma source(%dma_start3A_75 : memref<1024x512xf32, #tpu.memory_space<hbm>>) target(%arg19 : memref<64x512xf32, #tpu.memory_space<vmem>>) offsets(%dma_start3A_72 : memref<64xi32, #tpu.memory_space<vmem>>) semaphore(%arg22 : memref<!tpu.dma_semaphore, #tpu.memory_space<semaphore_mem>>)
    %add3A_76 = arith.constant 64 : i32
    %add3A_77 = arith.addi %mul3A_2, %add3A_76 : i32
    %dma_wait3A_78 = arith.constant 64 : i32
    %dma_wait3A_79 = tpu.memref_slice %arg15[%dma_wait3A_78] : memref<128xi32, #tpu.memory_space<vmem>> -> memref<64xi32, #tpu.memory_space<vmem>>
    %dma_wait3A_80 = arith.constant 0 : i32
    %dma_wait3A_81 = arith.constant 0 : i32
    %dma_wait3A_82 = tpu.memref_slice %arg4[%dma_wait3A_80, %dma_wait3A_81] : memref<1024x512xf32, #tpu.memory_space<hbm>> -> memref<1024x512xf32, #tpu.memory_space<hbm>>
    tpu.wait_indirect_dma semaphore(%arg20 : memref<!tpu.dma_semaphore, #tpu.memory_space<semaphore_mem>>) src(%dma_wait3A_82 : memref<1024x512xf32, #tpu.memory_space<hbm>>) dst(%arg17 : memref<64x512xf32, #tpu.memory_space<vmem>>)
    %dma_start3A_83 = arith.constant 0 : i32
    %dma_start3A_84 = tpu.memref_slice %arg11[%add3A_77, %dma_start3A_83] : memref<4096x512xf32, #tpu.memory_space<hbm>> -> memref<64x512xf32, #tpu.memory_space<hbm>>
    %dma_start3A_85 = arith.constant 0 : i32
    %dma_start3A_86 = tpu.memref_slice %arg11[%add3A_77, %dma_start3A_85] : memref<4096x512xf32, #tpu.memory_space<hbm>> -> memref<64x512xf32, #tpu.memory_space<hbm>>
    tpu.enqueue_dma source(%arg17 : memref<64x512xf32, #tpu.memory_space<vmem>>) target(%dma_start3A_86 : memref<64x512xf32, #tpu.memory_space<hbm>>) target_semaphore(%arg23 : memref<!tpu.dma_semaphore, #tpu.memory_space<semaphore_mem>>)
    %dma_wait3A_87 = arith.constant 0 : i32
    %dma_wait3A_88 = tpu.memref_slice %arg11[%add3A_77, %dma_wait3A_87] : memref<4096x512xf32, #tpu.memory_space<hbm>> -> memref<64x512xf32, #tpu.memory_space<hbm>>
    %dma_wait3A_89 = arith.constant 0 : i32
    %dma_wait3A_90 = tpu.memref_slice %arg11[%add3A_77, %dma_wait3A_89] : memref<4096x512xf32, #tpu.memory_space<hbm>> -> memref<64x512xf32, #tpu.memory_space<hbm>>
    tpu.wait_dma2 semaphore(%arg23 : memref<!tpu.dma_semaphore, #tpu.memory_space<semaphore_mem>>) src(%arg17 : memref<64x512xf32, #tpu.memory_space<vmem>>) dst(%dma_wait3A_90 : memref<64x512xf32, #tpu.memory_space<hbm>>)
    %dma_start3A_91 = arith.constant 0 : i32
    %dma_start3A_92 = tpu.memref_slice %arg15[%dma_start3A_91] : memref<128xi32, #tpu.memory_space<vmem>> -> memref<64xi32, #tpu.memory_space<vmem>>
    %dma_start3A_93 = arith.constant 0 : i32
    %dma_start3A_94 = arith.constant 0 : i32
    %dma_start3A_95 = tpu.memref_slice %arg5[%dma_start3A_93, %dma_start3A_94] : memref<1024x512xf32, #tpu.memory_space<hbm>> -> memref<1024x512xf32, #tpu.memory_space<hbm>>
    tpu.enqueue_indirect_dma source(%dma_start3A_95 : memref<1024x512xf32, #tpu.memory_space<hbm>>) target(%arg17 : memref<64x512xf32, #tpu.memory_space<vmem>>) offsets(%dma_start3A_92 : memref<64xi32, #tpu.memory_space<vmem>>) semaphore(%arg20 : memref<!tpu.dma_semaphore, #tpu.memory_space<semaphore_mem>>)
    %add3A_96 = arith.constant 0 : i32
    %add3A_97 = arith.addi %mul3A_2, %add3A_96 : i32
    %dma_wait3A_98 = arith.constant 0 : i32
    %dma_wait3A_99 = tpu.memref_slice %arg14[%dma_wait3A_98] : memref<128xi32, #tpu.memory_space<vmem>> -> memref<64xi32, #tpu.memory_space<vmem>>
    %dma_wait3A_100 = arith.constant 0 : i32
    %dma_wait3A_101 = arith.constant 0 : i32
    %dma_wait3A_102 = tpu.memref_slice %arg5[%dma_wait3A_100, %dma_wait3A_101] : memref<1024x512xf32, #tpu.memory_space<hbm>> -> memref<1024x512xf32, #tpu.memory_space<hbm>>
    tpu.wait_indirect_dma semaphore(%arg21 : memref<!tpu.dma_semaphore, #tpu.memory_space<semaphore_mem>>) src(%dma_wait3A_102 : memref<1024x512xf32, #tpu.memory_space<hbm>>) dst(%arg18 : memref<64x512xf32, #tpu.memory_space<vmem>>)
    %dma_start3A_103 = arith.constant 0 : i32
    %dma_start3A_104 = tpu.memref_slice %arg12[%add3A_97, %dma_start3A_103] : memref<4096x512xf32, #tpu.memory_space<hbm>> -> memref<64x512xf32, #tpu.memory_space<hbm>>
    %dma_start3A_105 = arith.constant 0 : i32
    %dma_start3A_106 = tpu.memref_slice %arg12[%add3A_97, %dma_start3A_105] : memref<4096x512xf32, #tpu.memory_space<hbm>> -> memref<64x512xf32, #tpu.memory_space<hbm>>
    tpu.enqueue_dma source(%arg18 : memref<64x512xf32, #tpu.memory_space<vmem>>) target(%dma_start3A_106 : memref<64x512xf32, #tpu.memory_space<hbm>>) target_semaphore(%arg24 : memref<!tpu.dma_semaphore, #tpu.memory_space<semaphore_mem>>)
    %dma_wait3A_107 = arith.constant 0 : i32
    %dma_wait3A_108 = tpu.memref_slice %arg12[%add3A_97, %dma_wait3A_107] : memref<4096x512xf32, #tpu.memory_space<hbm>> -> memref<64x512xf32, #tpu.memory_space<hbm>>
    %dma_wait3A_109 = arith.constant 0 : i32
    %dma_wait3A_110 = tpu.memref_slice %arg12[%add3A_97, %dma_wait3A_109] : memref<4096x512xf32, #tpu.memory_space<hbm>> -> memref<64x512xf32, #tpu.memory_space<hbm>>
    tpu.wait_dma2 semaphore(%arg24 : memref<!tpu.dma_semaphore, #tpu.memory_space<semaphore_mem>>) src(%arg18 : memref<64x512xf32, #tpu.memory_space<vmem>>) dst(%dma_wait3A_110 : memref<64x512xf32, #tpu.memory_space<hbm>>)
    %dma_start3A_111 = arith.constant 64 : i32
    %dma_start3A_112 = tpu.memref_slice %arg15[%dma_start3A_111] : memref<128xi32, #tpu.memory_space<vmem>> -> memref<64xi32, #tpu.memory_space<vmem>>
    %dma_start3A_113 = arith.constant 0 : i32
    %dma_start3A_114 = arith.constant 0 : i32
    %dma_start3A_115 = tpu.memref_slice %arg5[%dma_start3A_113, %dma_start3A_114] : memref<1024x512xf32, #tpu.memory_space<hbm>> -> memref<1024x512xf32, #tpu.memory_space<hbm>>
    tpu.enqueue_indirect_dma source(%dma_start3A_115 : memref<1024x512xf32, #tpu.memory_space<hbm>>) target(%arg18 : memref<64x512xf32, #tpu.memory_space<vmem>>) offsets(%dma_start3A_112 : memref<64xi32, #tpu.memory_space<vmem>>) semaphore(%arg21 : memref<!tpu.dma_semaphore, #tpu.memory_space<semaphore_mem>>)
    %add3A_116 = arith.constant 64 : i32
    %add3A_117 = arith.addi %mul3A_2, %add3A_116 : i32
    %dma_wait3A_118 = arith.constant 64 : i32
    %dma_wait3A_119 = tpu.memref_slice %arg14[%dma_wait3A_118] : memref<128xi32, #tpu.memory_space<vmem>> -> memref<64xi32, #tpu.memory_space<vmem>>
    %dma_wait3A_120 = arith.constant 0 : i32
    %dma_wait3A_121 = arith.constant 0 : i32
    %dma_wait3A_122 = tpu.memref_slice %arg5[%dma_wait3A_120, %dma_wait3A_121] : memref<1024x512xf32, #tpu.memory_space<hbm>> -> memref<1024x512xf32, #tpu.memory_space<hbm>>
    tpu.wait_indirect_dma semaphore(%arg22 : memref<!tpu.dma_semaphore, #tpu.memory_space<semaphore_mem>>) src(%dma_wait3A_122 : memref<1024x512xf32, #tpu.memory_space<hbm>>) dst(%arg19 : memref<64x512xf32, #tpu.memory_space<vmem>>)
    %dma_start3A_123 = arith.constant 0 : i32
    %dma_start3A_124 = tpu.memref_slice %arg12[%add3A_117, %dma_start3A_123] : memref<4096x512xf32, #tpu.memory_space<hbm>> -> memref<64x512xf32, #tpu.memory_space<hbm>>
    %dma_start3A_125 = arith.constant 0 : i32
    %dma_start3A_126 = tpu.memref_slice %arg12[%add3A_117, %dma_start3A_125] : memref<4096x512xf32, #tpu.memory_space<hbm>> -> memref<64x512xf32, #tpu.memory_space<hbm>>
    tpu.enqueue_dma source(%arg19 : memref<64x512xf32, #tpu.memory_space<vmem>>) target(%dma_start3A_126 : memref<64x512xf32, #tpu.memory_space<hbm>>) target_semaphore(%arg25 : memref<!tpu.dma_semaphore, #tpu.memory_space<semaphore_mem>>)
    %add3A_127 = arith.constant 0 : i32
    %add3A_128 = arith.addi %mul3A_2, %add3A_127 : i32
    %dma_wait3A_129 = arith.constant 0 : i32
    %dma_wait3A_130 = tpu.memref_slice %arg15[%dma_wait3A_129] : memref<128xi32, #tpu.memory_space<vmem>> -> memref<64xi32, #tpu.memory_space<vmem>>
    %dma_wait3A_131 = arith.constant 0 : i32
    %dma_wait3A_132 = arith.constant 0 : i32
    %dma_wait3A_133 = tpu.memref_slice %arg5[%dma_wait3A_131, %dma_wait3A_132] : memref<1024x512xf32, #tpu.memory_space<hbm>> -> memref<1024x512xf32, #tpu.memory_space<hbm>>
    tpu.wait_indirect_dma semaphore(%arg20 : memref<!tpu.dma_semaphore, #tpu.memory_space<semaphore_mem>>) src(%dma_wait3A_133 : memref<1024x512xf32, #tpu.memory_space<hbm>>) dst(%arg17 : memref<64x512xf32, #tpu.memory_space<vmem>>)
    %dma_start3A_134 = arith.constant 0 : i32
    %dma_start3A_135 = tpu.memref_slice %arg13[%add3A_128, %dma_start3A_134] : memref<4096x512xf32, #tpu.memory_space<hbm>> -> memref<64x512xf32, #tpu.memory_space<hbm>>
    %dma_start3A_136 = arith.constant 0 : i32
    %dma_start3A_137 = tpu.memref_slice %arg13[%add3A_128, %dma_start3A_136] : memref<4096x512xf32, #tpu.memory_space<hbm>> -> memref<64x512xf32, #tpu.memory_space<hbm>>
    tpu.enqueue_dma source(%arg17 : memref<64x512xf32, #tpu.memory_space<vmem>>) target(%dma_start3A_137 : memref<64x512xf32, #tpu.memory_space<hbm>>) target_semaphore(%arg23 : memref<!tpu.dma_semaphore, #tpu.memory_space<semaphore_mem>>)
    %add3A_138 = arith.constant 64 : i32
    %add3A_139 = arith.addi %mul3A_2, %add3A_138 : i32
    %dma_wait3A_140 = arith.constant 64 : i32
    %dma_wait3A_141 = tpu.memref_slice %arg15[%dma_wait3A_140] : memref<128xi32, #tpu.memory_space<vmem>> -> memref<64xi32, #tpu.memory_space<vmem>>
    %dma_wait3A_142 = arith.constant 0 : i32
    %dma_wait3A_143 = arith.constant 0 : i32
    %dma_wait3A_144 = tpu.memref_slice %arg5[%dma_wait3A_142, %dma_wait3A_143] : memref<1024x512xf32, #tpu.memory_space<hbm>> -> memref<1024x512xf32, #tpu.memory_space<hbm>>
    tpu.wait_indirect_dma semaphore(%arg21 : memref<!tpu.dma_semaphore, #tpu.memory_space<semaphore_mem>>) src(%dma_wait3A_144 : memref<1024x512xf32, #tpu.memory_space<hbm>>) dst(%arg18 : memref<64x512xf32, #tpu.memory_space<vmem>>)
    %dma_start3A_145 = arith.constant 0 : i32
    %dma_start3A_146 = tpu.memref_slice %arg13[%add3A_139, %dma_start3A_145] : memref<4096x512xf32, #tpu.memory_space<hbm>> -> memref<64x512xf32, #tpu.memory_space<hbm>>
    %dma_start3A_147 = arith.constant 0 : i32
    %dma_start3A_148 = tpu.memref_slice %arg13[%add3A_139, %dma_start3A_147] : memref<4096x512xf32, #tpu.memory_space<hbm>> -> memref<64x512xf32, #tpu.memory_space<hbm>>
    tpu.enqueue_dma source(%arg18 : memref<64x512xf32, #tpu.memory_space<vmem>>) target(%dma_start3A_148 : memref<64x512xf32, #tpu.memory_space<hbm>>) target_semaphore(%arg24 : memref<!tpu.dma_semaphore, #tpu.memory_space<semaphore_mem>>)
    %dma_wait3A_149 = arith.constant 0 : i32
    %dma_wait3A_150 = tpu.memref_slice %arg12[%add3A_117, %dma_wait3A_149] : memref<4096x512xf32, #tpu.memory_space<hbm>> -> memref<64x512xf32, #tpu.memory_space<hbm>>
    %dma_wait3A_151 = arith.constant 0 : i32
    %dma_wait3A_152 = tpu.memref_slice %arg12[%add3A_117, %dma_wait3A_151] : memref<4096x512xf32, #tpu.memory_space<hbm>> -> memref<64x512xf32, #tpu.memory_space<hbm>>
    tpu.wait_dma2 semaphore(%arg25 : memref<!tpu.dma_semaphore, #tpu.memory_space<semaphore_mem>>) src(%arg19 : memref<64x512xf32, #tpu.memory_space<vmem>>) dst(%dma_wait3A_152 : memref<64x512xf32, #tpu.memory_space<hbm>>)
    %dma_wait3A_153 = arith.constant 0 : i32
    %dma_wait3A_154 = tpu.memref_slice %arg13[%add3A_128, %dma_wait3A_153] : memref<4096x512xf32, #tpu.memory_space<hbm>> -> memref<64x512xf32, #tpu.memory_space<hbm>>
    %dma_wait3A_155 = arith.constant 0 : i32
    %dma_wait3A_156 = tpu.memref_slice %arg13[%add3A_128, %dma_wait3A_155] : memref<4096x512xf32, #tpu.memory_space<hbm>> -> memref<64x512xf32, #tpu.memory_space<hbm>>
    tpu.wait_dma2 semaphore(%arg23 : memref<!tpu.dma_semaphore, #tpu.memory_space<semaphore_mem>>) src(%arg17 : memref<64x512xf32, #tpu.memory_space<vmem>>) dst(%dma_wait3A_156 : memref<64x512xf32, #tpu.memory_space<hbm>>)
    %dma_wait3A_157 = arith.constant 0 : i32
    %dma_wait3A_158 = tpu.memref_slice %arg13[%add3A_139, %dma_wait3A_157] : memref<4096x512xf32, #tpu.memory_space<hbm>> -> memref<64x512xf32, #tpu.memory_space<hbm>>
    %dma_wait3A_159 = arith.constant 0 : i32
    %dma_wait3A_160 = tpu.memref_slice %arg13[%add3A_139, %dma_wait3A_159] : memref<4096x512xf32, #tpu.memory_space<hbm>> -> memref<64x512xf32, #tpu.memory_space<hbm>>
    tpu.wait_dma2 semaphore(%arg24 : memref<!tpu.dma_semaphore, #tpu.memory_space<semaphore_mem>>) src(%arg18 : memref<64x512xf32, #tpu.memory_space<vmem>>) dst(%dma_wait3A_160 : memref<64x512xf32, #tpu.memory_space<hbm>>)
    %dma_start3A_161 = arith.constant 0 : i32
    %dma_start3A_162 = tpu.memref_slice %arg14[%dma_start3A_161] : memref<128xi32, #tpu.memory_space<vmem>> -> memref<64xi32, #tpu.memory_space<vmem>>
    %dma_start3A_163 = arith.constant 0 : i32
    %dma_start3A_164 = arith.constant 0 : i32
    %dma_start3A_165 = tpu.memref_slice %arg2[%dma_start3A_163, %dma_start3A_164] : memref<1024x128xf32, #tpu.memory_space<hbm>> -> memref<1024x128xf32, #tpu.memory_space<hbm>>
    tpu.enqueue_indirect_dma source(%dma_start3A_165 : memref<1024x128xf32, #tpu.memory_space<hbm>>) target(%arg16 : memref<64x128xf32, #tpu.memory_space<vmem>>) offsets(%dma_start3A_162 : memref<64xi32, #tpu.memory_space<vmem>>) semaphore(%arg26 : memref<!tpu.dma_semaphore, #tpu.memory_space<semaphore_mem>>)
    %dma_wait3A_166 = arith.constant 0 : i32
    %dma_wait3A_167 = tpu.memref_slice %arg14[%dma_wait3A_166] : memref<128xi32, #tpu.memory_space<vmem>> -> memref<64xi32, #tpu.memory_space<vmem>>
    %dma_wait3A_168 = arith.constant 0 : i32
    %dma_wait3A_169 = arith.constant 0 : i32
    %dma_wait3A_170 = tpu.memref_slice %arg2[%dma_wait3A_168, %dma_wait3A_169] : memref<1024x128xf32, #tpu.memory_space<hbm>> -> memref<1024x128xf32, #tpu.memory_space<hbm>>
    tpu.wait_indirect_dma semaphore(%arg26 : memref<!tpu.dma_semaphore, #tpu.memory_space<semaphore_mem>>) src(%dma_wait3A_170 : memref<1024x128xf32, #tpu.memory_space<hbm>>) dst(%arg16 : memref<64x128xf32, #tpu.memory_space<vmem>>)
    %add3A_171 = arith.constant 0 : i32
    %add3A_172 = arith.addi %mul3A_2, %add3A_171 : i32
    "tpu.region"() ({
      %run_scoped3A = tpu.sem_alloc : memref<!tpu.dma_semaphore, #tpu.memory_space<semaphore_mem>>
      %dma_start3A_209 = arith.constant 0 : i32
      %dma_start3A_210 = tpu.memref_slice %arg8[%add3A_172, %dma_start3A_209] : memref<4096x128xf32, #tpu.memory_space<hbm>> -> memref<64x128xf32, #tpu.memory_space<hbm>>
      %dma_start3A_211 = arith.constant 0 : i32
      %dma_start3A_212 = tpu.memref_slice %arg8[%add3A_172, %dma_start3A_211] : memref<4096x128xf32, #tpu.memory_space<hbm>> -> memref<64x128xf32, #tpu.memory_space<hbm>>
      tpu.enqueue_dma source(%arg16 : memref<64x128xf32, #tpu.memory_space<vmem>>) target(%dma_start3A_212 : memref<64x128xf32, #tpu.memory_space<hbm>>) target_semaphore(%run_scoped3A : memref<!tpu.dma_semaphore, #tpu.memory_space<semaphore_mem>>)
      %dma_wait3A_213 = arith.constant 0 : i32
      %dma_wait3A_214 = tpu.memref_slice %arg8[%add3A_172, %dma_wait3A_213] : memref<4096x128xf32, #tpu.memory_space<hbm>> -> memref<64x128xf32, #tpu.memory_space<hbm>>
      %dma_wait3A_215 = arith.constant 0 : i32
      %dma_wait3A_216 = tpu.memref_slice %arg8[%add3A_172, %dma_wait3A_215] : memref<4096x128xf32, #tpu.memory_space<hbm>> -> memref<64x128xf32, #tpu.memory_space<hbm>>
      tpu.wait_dma2 semaphore(%run_scoped3A : memref<!tpu.dma_semaphore, #tpu.memory_space<semaphore_mem>>) src(%arg16 : memref<64x128xf32, #tpu.memory_space<vmem>>) dst(%dma_wait3A_216 : memref<64x128xf32, #tpu.memory_space<hbm>>)
      tpu.yield
    }) : () -> ()
    %dma_start3A_173 = arith.constant 64 : i32
    %dma_start3A_174 = tpu.memref_slice %arg14[%dma_start3A_173] : memref<128xi32, #tpu.memory_space<vmem>> -> memref<64xi32, #tpu.memory_space<vmem>>
    %dma_start3A_175 = arith.constant 0 : i32
    %dma_start3A_176 = arith.constant 0 : i32
    %dma_start3A_177 = tpu.memref_slice %arg2[%dma_start3A_175, %dma_start3A_176] : memref<1024x128xf32, #tpu.memory_space<hbm>> -> memref<1024x128xf32, #tpu.memory_space<hbm>>
    tpu.enqueue_indirect_dma source(%dma_start3A_177 : memref<1024x128xf32, #tpu.memory_space<hbm>>) target(%arg16 : memref<64x128xf32, #tpu.memory_space<vmem>>) offsets(%dma_start3A_174 : memref<64xi32, #tpu.memory_space<vmem>>) semaphore(%arg26 : memref<!tpu.dma_semaphore, #tpu.memory_space<semaphore_mem>>)
    %dma_wait3A_178 = arith.constant 64 : i32
    %dma_wait3A_179 = tpu.memref_slice %arg14[%dma_wait3A_178] : memref<128xi32, #tpu.memory_space<vmem>> -> memref<64xi32, #tpu.memory_space<vmem>>
    %dma_wait3A_180 = arith.constant 0 : i32
    %dma_wait3A_181 = arith.constant 0 : i32
    %dma_wait3A_182 = tpu.memref_slice %arg2[%dma_wait3A_180, %dma_wait3A_181] : memref<1024x128xf32, #tpu.memory_space<hbm>> -> memref<1024x128xf32, #tpu.memory_space<hbm>>
    tpu.wait_indirect_dma semaphore(%arg26 : memref<!tpu.dma_semaphore, #tpu.memory_space<semaphore_mem>>) src(%dma_wait3A_182 : memref<1024x128xf32, #tpu.memory_space<hbm>>) dst(%arg16 : memref<64x128xf32, #tpu.memory_space<vmem>>)
    %add3A_183 = arith.constant 64 : i32
    %add3A_184 = arith.addi %mul3A_2, %add3A_183 : i32
    "tpu.region"() ({
      %run_scoped3A = tpu.sem_alloc : memref<!tpu.dma_semaphore, #tpu.memory_space<semaphore_mem>>
      %dma_start3A_209 = arith.constant 0 : i32
      %dma_start3A_210 = tpu.memref_slice %arg8[%add3A_184, %dma_start3A_209] : memref<4096x128xf32, #tpu.memory_space<hbm>> -> memref<64x128xf32, #tpu.memory_space<hbm>>
      %dma_start3A_211 = arith.constant 0 : i32
      %dma_start3A_212 = tpu.memref_slice %arg8[%add3A_184, %dma_start3A_211] : memref<4096x128xf32, #tpu.memory_space<hbm>> -> memref<64x128xf32, #tpu.memory_space<hbm>>
      tpu.enqueue_dma source(%arg16 : memref<64x128xf32, #tpu.memory_space<vmem>>) target(%dma_start3A_212 : memref<64x128xf32, #tpu.memory_space<hbm>>) target_semaphore(%run_scoped3A : memref<!tpu.dma_semaphore, #tpu.memory_space<semaphore_mem>>)
      %dma_wait3A_213 = arith.constant 0 : i32
      %dma_wait3A_214 = tpu.memref_slice %arg8[%add3A_184, %dma_wait3A_213] : memref<4096x128xf32, #tpu.memory_space<hbm>> -> memref<64x128xf32, #tpu.memory_space<hbm>>
      %dma_wait3A_215 = arith.constant 0 : i32
      %dma_wait3A_216 = tpu.memref_slice %arg8[%add3A_184, %dma_wait3A_215] : memref<4096x128xf32, #tpu.memory_space<hbm>> -> memref<64x128xf32, #tpu.memory_space<hbm>>
      tpu.wait_dma2 semaphore(%run_scoped3A : memref<!tpu.dma_semaphore, #tpu.memory_space<semaphore_mem>>) src(%arg16 : memref<64x128xf32, #tpu.memory_space<vmem>>) dst(%dma_wait3A_216 : memref<64x128xf32, #tpu.memory_space<hbm>>)
      tpu.yield
    }) : () -> ()
    %dma_start3A_185 = arith.constant 0 : i32
    %dma_start3A_186 = tpu.memref_slice %arg15[%dma_start3A_185] : memref<128xi32, #tpu.memory_space<vmem>> -> memref<64xi32, #tpu.memory_space<vmem>>
    %dma_start3A_187 = arith.constant 0 : i32
    %dma_start3A_188 = arith.constant 0 : i32
    %dma_start3A_189 = tpu.memref_slice %arg2[%dma_start3A_187, %dma_start3A_188] : memref<1024x128xf32, #tpu.memory_space<hbm>> -> memref<1024x128xf32, #tpu.memory_space<hbm>>
    tpu.enqueue_indirect_dma source(%dma_start3A_189 : memref<1024x128xf32, #tpu.memory_space<hbm>>) target(%arg16 : memref<64x128xf32, #tpu.memory_space<vmem>>) offsets(%dma_start3A_186 : memref<64xi32, #tpu.memory_space<vmem>>) semaphore(%arg26 : memref<!tpu.dma_semaphore, #tpu.memory_space<semaphore_mem>>)
    %dma_wait3A_190 = arith.constant 0 : i32
    %dma_wait3A_191 = tpu.memref_slice %arg15[%dma_wait3A_190] : memref<128xi32, #tpu.memory_space<vmem>> -> memref<64xi32, #tpu.memory_space<vmem>>
    %dma_wait3A_192 = arith.constant 0 : i32
    %dma_wait3A_193 = arith.constant 0 : i32
    %dma_wait3A_194 = tpu.memref_slice %arg2[%dma_wait3A_192, %dma_wait3A_193] : memref<1024x128xf32, #tpu.memory_space<hbm>> -> memref<1024x128xf32, #tpu.memory_space<hbm>>
    tpu.wait_indirect_dma semaphore(%arg26 : memref<!tpu.dma_semaphore, #tpu.memory_space<semaphore_mem>>) src(%dma_wait3A_194 : memref<1024x128xf32, #tpu.memory_space<hbm>>) dst(%arg16 : memref<64x128xf32, #tpu.memory_space<vmem>>)
    %add3A_195 = arith.constant 0 : i32
    %add3A_196 = arith.addi %mul3A_2, %add3A_195 : i32
    "tpu.region"() ({
      %run_scoped3A = tpu.sem_alloc : memref<!tpu.dma_semaphore, #tpu.memory_space<semaphore_mem>>
      %dma_start3A_209 = arith.constant 0 : i32
      %dma_start3A_210 = tpu.memref_slice %arg9[%add3A_196, %dma_start3A_209] : memref<4096x128xf32, #tpu.memory_space<hbm>> -> memref<64x128xf32, #tpu.memory_space<hbm>>
      %dma_start3A_211 = arith.constant 0 : i32
      %dma_start3A_212 = tpu.memref_slice %arg9[%add3A_196, %dma_start3A_211] : memref<4096x128xf32, #tpu.memory_space<hbm>> -> memref<64x128xf32, #tpu.memory_space<hbm>>
      tpu.enqueue_dma source(%arg16 : memref<64x128xf32, #tpu.memory_space<vmem>>) target(%dma_start3A_212 : memref<64x128xf32, #tpu.memory_space<hbm>>) target_semaphore(%run_scoped3A : memref<!tpu.dma_semaphore, #tpu.memory_space<semaphore_mem>>)
      %dma_wait3A_213 = arith.constant 0 : i32
      %dma_wait3A_214 = tpu.memref_slice %arg9[%add3A_196, %dma_wait3A_213] : memref<4096x128xf32, #tpu.memory_space<hbm>> -> memref<64x128xf32, #tpu.memory_space<hbm>>
      %dma_wait3A_215 = arith.constant 0 : i32
      %dma_wait3A_216 = tpu.memref_slice %arg9[%add3A_196, %dma_wait3A_215] : memref<4096x128xf32, #tpu.memory_space<hbm>> -> memref<64x128xf32, #tpu.memory_space<hbm>>
      tpu.wait_dma2 semaphore(%run_scoped3A : memref<!tpu.dma_semaphore, #tpu.memory_space<semaphore_mem>>) src(%arg16 : memref<64x128xf32, #tpu.memory_space<vmem>>) dst(%dma_wait3A_216 : memref<64x128xf32, #tpu.memory_space<hbm>>)
      tpu.yield
    }) : () -> ()
    %dma_start3A_197 = arith.constant 64 : i32
    %dma_start3A_198 = tpu.memref_slice %arg15[%dma_start3A_197] : memref<128xi32, #tpu.memory_space<vmem>> -> memref<64xi32, #tpu.memory_space<vmem>>
    %dma_start3A_199 = arith.constant 0 : i32
    %dma_start3A_200 = arith.constant 0 : i32
    %dma_start3A_201 = tpu.memref_slice %arg2[%dma_start3A_199, %dma_start3A_200] : memref<1024x128xf32, #tpu.memory_space<hbm>> -> memref<1024x128xf32, #tpu.memory_space<hbm>>
    tpu.enqueue_indirect_dma source(%dma_start3A_201 : memref<1024x128xf32, #tpu.memory_space<hbm>>) target(%arg16 : memref<64x128xf32, #tpu.memory_space<vmem>>) offsets(%dma_start3A_198 : memref<64xi32, #tpu.memory_space<vmem>>) semaphore(%arg26 : memref<!tpu.dma_semaphore, #tpu.memory_space<semaphore_mem>>)
    %dma_wait3A_202 = arith.constant 64 : i32
    %dma_wait3A_203 = tpu.memref_slice %arg15[%dma_wait3A_202] : memref<128xi32, #tpu.memory_space<vmem>> -> memref<64xi32, #tpu.memory_space<vmem>>
    %dma_wait3A_204 = arith.constant 0 : i32
    %dma_wait3A_205 = arith.constant 0 : i32
    %dma_wait3A_206 = tpu.memref_slice %arg2[%dma_wait3A_204, %dma_wait3A_205] : memref<1024x128xf32, #tpu.memory_space<hbm>> -> memref<1024x128xf32, #tpu.memory_space<hbm>>
    tpu.wait_indirect_dma semaphore(%arg26 : memref<!tpu.dma_semaphore, #tpu.memory_space<semaphore_mem>>) src(%dma_wait3A_206 : memref<1024x128xf32, #tpu.memory_space<hbm>>) dst(%arg16 : memref<64x128xf32, #tpu.memory_space<vmem>>)
    %add3A_207 = arith.constant 64 : i32
    %add3A_208 = arith.addi %mul3A_2, %add3A_207 : i32
    "tpu.region"() ({
      %run_scoped3A = tpu.sem_alloc : memref<!tpu.dma_semaphore, #tpu.memory_space<semaphore_mem>>
      %dma_start3A_209 = arith.constant 0 : i32
      %dma_start3A_210 = tpu.memref_slice %arg9[%add3A_208, %dma_start3A_209] : memref<4096x128xf32, #tpu.memory_space<hbm>> -> memref<64x128xf32, #tpu.memory_space<hbm>>
      %dma_start3A_211 = arith.constant 0 : i32
      %dma_start3A_212 = tpu.memref_slice %arg9[%add3A_208, %dma_start3A_211] : memref<4096x128xf32, #tpu.memory_space<hbm>> -> memref<64x128xf32, #tpu.memory_space<hbm>>
      tpu.enqueue_dma source(%arg16 : memref<64x128xf32, #tpu.memory_space<vmem>>) target(%dma_start3A_212 : memref<64x128xf32, #tpu.memory_space<hbm>>) target_semaphore(%run_scoped3A : memref<!tpu.dma_semaphore, #tpu.memory_space<semaphore_mem>>)
      %dma_wait3A_213 = arith.constant 0 : i32
      %dma_wait3A_214 = tpu.memref_slice %arg9[%add3A_208, %dma_wait3A_213] : memref<4096x128xf32, #tpu.memory_space<hbm>> -> memref<64x128xf32, #tpu.memory_space<hbm>>
      %dma_wait3A_215 = arith.constant 0 : i32
      %dma_wait3A_216 = tpu.memref_slice %arg9[%add3A_208, %dma_wait3A_215] : memref<4096x128xf32, #tpu.memory_space<hbm>> -> memref<64x128xf32, #tpu.memory_space<hbm>>
      tpu.wait_dma2 semaphore(%run_scoped3A : memref<!tpu.dma_semaphore, #tpu.memory_space<semaphore_mem>>) src(%arg16 : memref<64x128xf32, #tpu.memory_space<vmem>>) dst(%dma_wait3A_216 : memref<64x128xf32, #tpu.memory_space<hbm>>)
      tpu.yield
    }) : () -> ()
    return
  }
}

module attributes {stable_mosaic.version = 14 : i64} {
  func.func @_node_proj_body(%arg0: memref<1024x4096xf32, #tpu.memory_space<vmem>>, %arg1: memref<4096x512xf32, #tpu.memory_space<vmem>>, %arg2: memref<1x512xf32, #tpu.memory_space<vmem>>, %arg3: memref<512x512xbf16, #tpu.memory_space<vmem>>, %arg4: memref<512x512xbf16, #tpu.memory_space<vmem>>, %arg5: memref<256x512xf32, #tpu.memory_space<vmem>>, %arg6: memref<1024x1xi32, #tpu.memory_space<vmem>>, %arg7: memref<1024x512xf32, #tpu.memory_space<vmem>>, %arg8: memref<1024x512xf32, #tpu.memory_space<vmem>>, %arg9: memref<1024x512xf32, #tpu.memory_space<vmem>>, %arg10: memref<1024x512xf32, #tpu.memory_space<vmem>>) attributes {dimension_semantics = [], scalar_prefetch = 0 : i64, scratch_operands = 0 : i64, tpu.core_type = #tpu.core_type<tc>} {
    %get3A = arith.constant 0 : index
    %get3A_0 = arith.constant 0 : index
    %get3A_1 = vector.load %arg0[%get3A, %get3A_0] : memref<1024x4096xf32, #tpu.memory_space<vmem>>, vector<1024x4096xf32>
    %convert_element_type3A = arith.truncf %get3A_1 : vector<1024x4096xf32> to vector<1024x4096xbf16>
    %get3A_2 = arith.constant 0 : index
    %get3A_3 = arith.constant 0 : index
    %get3A_4 = vector.load %arg1[%get3A_2, %get3A_3] : memref<4096x512xf32, #tpu.memory_space<vmem>>, vector<4096x512xf32>
    %convert_element_type3A_5 = arith.truncf %get3A_4 : vector<4096x512xf32> to vector<4096x512xbf16>
    %dot_general3A = arith.constant dense<0.000000e+00> : vector<1024x512xf32>
    %dot_general3A_6 = tpu.matmul %convert_element_type3A, %convert_element_type3A_5, %dot_general3A {dimension_numbers = #tpu.dot_dimension_numbers<[1], [0], [0], [1], [0, 0, 1, 1], [], []>, transpose_lhs_hint = false} : vector<1024x4096xbf16>, vector<4096x512xbf16>, vector<1024x512xf32> -> vector<1024x512xf32>
    %get3A_7 = arith.constant 0 : index
    %get3A_8 = arith.constant 0 : index
    %get3A_9 = vector.load %arg2[%get3A_7, %get3A_8] : memref<1x512xf32, #tpu.memory_space<vmem>>, vector<1x512xf32>
    %add3A = vector.broadcast %get3A_9 : vector<1x512xf32> to vector<1024x512xf32>
    %add3A_10 = arith.addf %dot_general3A_6, %add3A : vector<1024x512xf32>
    %swap3A = arith.constant 0 : index
    %swap3A_11 = arith.constant 0 : index
    %swap3A_12 = vector.load %arg7[%swap3A, %swap3A_11] : memref<1024x512xf32, #tpu.memory_space<vmem>>, vector<1024x512xf32>
    tpu.vector_store %arg7[%swap3A, %swap3A_11], %add3A_10 {strides = array<i32>} : memref<1024x512xf32, #tpu.memory_space<vmem>>, vector<1024x512xf32>,
    %convert_element_type3A_13 = arith.truncf %add3A_10 : vector<1024x512xf32> to vector<1024x512xbf16>
    %get3A_14 = arith.constant 0 : index
    %get3A_15 = arith.constant 0 : index
    %get3A_16 = vector.load %arg3[%get3A_14, %get3A_15] : memref<512x512xbf16, #tpu.memory_space<vmem>>, vector<512x512xbf16>
    %dot_general3A_17 = arith.constant dense<0.000000e+00> : vector<1024x512xf32>
    %dot_general3A_18 = tpu.matmul %convert_element_type3A_13, %get3A_16, %dot_general3A_17 {dimension_numbers = #tpu.dot_dimension_numbers<[1], [0], [0], [1], [0, 0, 1, 1], [], []>, transpose_lhs_hint = false} : vector<1024x512xbf16>, vector<512x512xbf16>, vector<1024x512xf32> -> vector<1024x512xf32>
    %swap3A_19 = arith.constant 0 : index
    %swap3A_20 = arith.constant 0 : index
    %swap3A_21 = vector.load %arg8[%swap3A_19, %swap3A_20] : memref<1024x512xf32, #tpu.memory_space<vmem>>, vector<1024x512xf32>
    tpu.vector_store %arg8[%swap3A_19, %swap3A_20], %dot_general3A_18 {strides = array<i32>} : memref<1024x512xf32, #tpu.memory_space<vmem>>, vector<1024x512xf32>,
    %get3A_22 = arith.constant 0 : index
    %get3A_23 = arith.constant 0 : index
    %get3A_24 = vector.load %arg4[%get3A_22, %get3A_23] : memref<512x512xbf16, #tpu.memory_space<vmem>>, vector<512x512xbf16>
    %dot_general3A_25 = arith.constant dense<0.000000e+00> : vector<1024x512xf32>
    %dot_general3A_26 = tpu.matmul %convert_element_type3A_13, %get3A_24, %dot_general3A_25 {dimension_numbers = #tpu.dot_dimension_numbers<[1], [0], [0], [1], [0, 0, 1, 1], [], []>, transpose_lhs_hint = false} : vector<1024x512xbf16>, vector<512x512xbf16>, vector<1024x512xf32> -> vector<1024x512xf32>
    %swap3A_27 = arith.constant 0 : index
    %swap3A_28 = arith.constant 0 : index
    %swap3A_29 = vector.load %arg9[%swap3A_27, %swap3A_28] : memref<1024x512xf32, #tpu.memory_space<vmem>>, vector<1024x512xf32>
    tpu.vector_store %arg9[%swap3A_27, %swap3A_28], %dot_general3A_26 {strides = array<i32>} : memref<1024x512xf32, #tpu.memory_space<vmem>>, vector<1024x512xf32>,
    %get3A_30 = arith.constant 0 : index
    %get3A_31 = arith.constant 0 : index
    %get3A_32 = vector.load %arg6[%get3A_30, %get3A_31] : memref<1024x1xi32, #tpu.memory_space<vmem>>, vector<1024x1xi32>
    %iota3A = tpu.iota {dimensions = array<i32: 1>} : vector<1024x256xi32>
    %eq3A = vector.broadcast %get3A_32 : vector<1024x1xi32> to vector<1024x256xi32>
    %eq3A_33 = arith.cmpi eq, %eq3A, %iota3A : vector<1024x256xi32>
    %convert_element_type3A_34 = arith.extui %eq3A_33 : vector<1024x256xi1> to vector<1024x256xi32>
    %convert_element_type3A_35 = arith.sitofp %convert_element_type3A_34 : vector<1024x256xi32> to vector<1024x256xf32>
    %get3A_36 = arith.constant 0 : index
    %get3A_37 = arith.constant 0 : index
    %get3A_38 = vector.load %arg5[%get3A_36, %get3A_37] : memref<256x512xf32, #tpu.memory_space<vmem>>, vector<256x512xf32>
    %dot_general3A_39 = arith.constant dense<0.000000e+00> : vector<1024x512xf32>
    %dot_general3A_40 = tpu.matmul %convert_element_type3A_35, %get3A_38, %dot_general3A_39 {dimension_numbers = #tpu.dot_dimension_numbers<[1], [0], [0], [1], [0, 0, 1, 1], [], []>, transpose_lhs_hint = false} : vector<1024x256xf32>, vector<256x512xf32>, vector<1024x512xf32> -> vector<1024x512xf32>
    %add3A_41 = arith.addf %dot_general3A_40, %add3A_10 : vector<1024x512xf32>
    %swap3A_42 = arith.constant 0 : index
    %swap3A_43 = arith.constant 0 : index
    %swap3A_44 = vector.load %arg10[%swap3A_42, %swap3A_43] : memref<1024x512xf32, #tpu.memory_space<vmem>>, vector<1024x512xf32>
    tpu.vector_store %arg10[%swap3A_42, %swap3A_43], %add3A_41 {strides = array<i32>} : memref<1024x512xf32, #tpu.memory_space<vmem>>, vector<1024x512xf32>,
    return
  }
}

module attributes {stable_mosaic.version = 14 : i64} {
  func.func @_fold_body(%arg0: memref<4096x512xf32, #tpu.memory_space<vmem>>, %arg1: memref<512x512xbf16, #tpu.memory_space<vmem>>, %arg2: memref<1x512xf32, #tpu.memory_space<vmem>>, %arg3: memref<1x512xf32, #tpu.memory_space<vmem>>, %arg4: memref<4096x512xbf16, #tpu.memory_space<vmem>>, %arg5: memref<1x512xf32, #tpu.memory_space<vmem>>) attributes {dimension_semantics = [], scalar_prefetch = 0 : i64, scratch_operands = 0 : i64, tpu.core_type = #tpu.core_type<tc>} {
    %get3A = arith.constant 0 : index
    %get3A_0 = arith.constant 0 : index
    %get3A_1 = vector.load %arg0[%get3A, %get3A_0] : memref<4096x512xf32, #tpu.memory_space<vmem>>, vector<4096x512xf32>
    %convert_element_type3A = arith.truncf %get3A_1 : vector<4096x512xf32> to vector<4096x512xbf16>
    %get3A_2 = arith.constant 0 : index
    %get3A_3 = arith.constant 0 : index
    %get3A_4 = vector.load %arg1[%get3A_2, %get3A_3] : memref<512x512xbf16, #tpu.memory_space<vmem>>, vector<512x512xbf16>
    %dot_general3A = arith.constant dense<0.000000e+00> : vector<4096x512xf32>
    %dot_general3A_5 = tpu.matmul %convert_element_type3A, %get3A_4, %dot_general3A {dimension_numbers = #tpu.dot_dimension_numbers<[1], [0], [0], [1], [0, 0, 1, 1], [], []>, transpose_lhs_hint = false} : vector<4096x512xbf16>, vector<512x512xbf16>, vector<4096x512xf32> -> vector<4096x512xf32>
    %convert_element_type3A_6 = arith.truncf %dot_general3A_5 : vector<4096x512xf32> to vector<4096x512xbf16>
    %swap3A = arith.constant 0 : index
    %swap3A_7 = arith.constant 0 : index
    %swap3A_8 = vector.load %arg4[%swap3A, %swap3A_7] : memref<4096x512xbf16, #tpu.memory_space<vmem>>, vector<4096x512xbf16>
    tpu.vector_store %arg4[%swap3A, %swap3A_7], %convert_element_type3A_6 {strides = array<i32>} : memref<4096x512xbf16, #tpu.memory_space<vmem>>, vector<4096x512xbf16>,
    %get3A_9 = arith.constant 0 : index
    %get3A_10 = arith.constant 0 : index
    %get3A_11 = vector.load %arg2[%get3A_9, %get3A_10] : memref<1x512xf32, #tpu.memory_space<vmem>>, vector<1x512xf32>
    %get3A_12 = arith.constant 0 : index
    %get3A_13 = arith.constant 0 : index
    %get3A_14 = vector.load %arg1[%get3A_12, %get3A_13] : memref<512x512xbf16, #tpu.memory_space<vmem>>, vector<512x512xbf16>
    %convert_element_type3A_15 = arith.extf %get3A_14 : vector<512x512xbf16> to vector<512x512xf32>
    %dot_general3A_16 = arith.constant dense<0.000000e+00> : vector<1x512xf32>
    %dot_general3A_17 = tpu.matmul %get3A_11, %convert_element_type3A_15, %dot_general3A_16 {dimension_numbers = #tpu.dot_dimension_numbers<[1], [0], [0], [1], [0, 0, 1, 1], [], []>, transpose_lhs_hint = false} : vector<1x512xf32>, vector<512x512xf32>, vector<1x512xf32> -> vector<1x512xf32>
    %get3A_18 = arith.constant 0 : index
    %get3A_19 = arith.constant 0 : index
    %get3A_20 = vector.load %arg3[%get3A_18, %get3A_19] : memref<1x512xf32, #tpu.memory_space<vmem>>, vector<1x512xf32>
    %add3A = arith.addf %dot_general3A_17, %get3A_20 : vector<1x512xf32>
    %swap3A_21 = arith.constant 0 : index
    %swap3A_22 = arith.constant 0 : index
    %swap3A_23 = vector.load %arg5[%swap3A_21, %swap3A_22] : memref<1x512xf32, #tpu.memory_space<vmem>>, vector<1x512xf32>
    tpu.vector_store %arg5[%swap3A_21, %swap3A_22], %add3A {strides = array<i32>} : memref<1x512xf32, #tpu.memory_space<vmem>>, vector<1x512xf32>,
    return
  }
}

module attributes {stable_mosaic.version = 14 : i64} {
  func.func @_edge_e_body(%arg0: i32, %arg1: memref<512x4096xf32, #tpu.memory_space<vmem>>, %arg2: memref<4096x512xbf16, #tpu.memory_space<vmem>>, %arg3: memref<512x512xf32, #tpu.memory_space<vmem>>, %arg4: memref<512x512xf32, #tpu.memory_space<vmem>>, %arg5: memref<16x512xf32, #tpu.memory_space<vmem>>, %arg6: memref<16x512xf32, #tpu.memory_space<vmem>>, %arg7: memref<32x512xf32, #tpu.memory_space<vmem>>, %arg8: memref<1x512xf32, #tpu.memory_space<vmem>>, %arg9: memref<512x512xf32, #tpu.memory_space<vmem>>) attributes {dimension_semantics = [#tpu.dimension_semantics<arbitrary>], iteration_bounds = array<i64: 8>, scalar_prefetch = 0 : i64, scratch_operands = 0 : i64, tpu.core_type = #tpu.core_type<tc>, window_params = [{transform_indices = @transform_0, window_bounds = array<i64: 512, 4096>}, {pipeline_mode = #tpu.pipeline_mode<synchronous>, transform_indices = @transform_1, window_bounds = array<i64: 4096, 512>}, {transform_indices = @transform_2, window_bounds = array<i64: 512, 512>}, {transform_indices = @transform_3, window_bounds = array<i64: 512, 512>}, {transform_indices = @transform_4, window_bounds = array<i64: 16, 512>}, {transform_indices = @transform_5, window_bounds = array<i64: 16, 512>}, {pipeline_mode = #tpu.pipeline_mode<synchronous>, transform_indices = @transform_6, window_bounds = array<i64: 32, 512>}, {pipeline_mode = #tpu.pipeline_mode<synchronous>, transform_indices = @transform_7, window_bounds = array<i64: 1, 512>}, {transform_indices = @transform_8, window_bounds = array<i64: 512, 512>}]} {
    %get3A = arith.constant 0 : index
    %get3A_0 = arith.constant 0 : index
    %get3A_1 = vector.load %arg1[%get3A, %get3A_0] : memref<512x4096xf32, #tpu.memory_space<vmem>>, vector<512x4096xf32>
    %convert_element_type3A = arith.truncf %get3A_1 : vector<512x4096xf32> to vector<512x4096xbf16>
    %get3A_2 = arith.constant 0 : index
    %get3A_3 = arith.constant 0 : index
    %get3A_4 = vector.load %arg2[%get3A_2, %get3A_3] : memref<4096x512xbf16, #tpu.memory_space<vmem>>, vector<4096x512xbf16>
    %dot_general3A = arith.constant dense<0.000000e+00> : vector<512x512xf32>
    %dot_general3A_5 = tpu.matmul %convert_element_type3A, %get3A_4, %dot_general3A {dimension_numbers = #tpu.dot_dimension_numbers<[1], [0], [0], [1], [0, 0, 1, 1], [], []>, transpose_lhs_hint = false} : vector<512x4096xbf16>, vector<4096x512xbf16>, vector<512x512xf32> -> vector<512x512xf32>
    %get3A_6 = arith.constant 0 : index
    %get3A_7 = arith.constant 0 : index
    %get3A_8 = vector.load %arg5[%get3A_6, %get3A_7] : memref<16x512xf32, #tpu.memory_space<vmem>>, vector<16x512xf32>
    %get3A_9 = arith.constant 0 : index
    %get3A_10 = arith.constant 0 : index
    %get3A_11 = vector.load %arg6[%get3A_9, %get3A_10] : memref<16x512xf32, #tpu.memory_space<vmem>>, vector<16x512xf32>
    %slice3A = vector.extract_strided_slice %get3A_8 {offsets = [0, 0], sizes = [1, 512], strides = [1, 1]} : vector<16x512xf32> to vector<1x512xf32>
    %slice3A_12 = vector.extract_strided_slice %get3A_8 {offsets = [1, 0], sizes = [1, 512], strides = [1, 1]} : vector<16x512xf32> to vector<1x512xf32>
    %slice3A_13 = vector.extract_strided_slice %get3A_8 {offsets = [2, 0], sizes = [1, 512], strides = [1, 1]} : vector<16x512xf32> to vector<1x512xf32>
    %slice3A_14 = vector.extract_strided_slice %get3A_8 {offsets = [3, 0], sizes = [1, 512], strides = [1, 1]} : vector<16x512xf32> to vector<1x512xf32>
    %slice3A_15 = vector.extract_strided_slice %get3A_11 {offsets = [0, 0], sizes = [1, 512], strides = [1, 1]} : vector<16x512xf32> to vector<1x512xf32>
    %slice3A_16 = vector.extract_strided_slice %get3A_11 {offsets = [1, 0], sizes = [1, 512], strides = [1, 1]} : vector<16x512xf32> to vector<1x512xf32>
    %slice3A_17 = vector.extract_strided_slice %get3A_11 {offsets = [2, 0], sizes = [1, 512], strides = [1, 1]} : vector<16x512xf32> to vector<1x512xf32>
    %slice3A_18 = vector.extract_strided_slice %get3A_11 {offsets = [3, 0], sizes = [1, 512], strides = [1, 1]} : vector<16x512xf32> to vector<1x512xf32>
    %min3A = arith.minimumf %slice3A, %slice3A_15 : vector<1x512xf32>
    %min3A_19 = arith.minimumf %slice3A_12, %slice3A_16 : vector<1x512xf32>
    %max3A = arith.maximumf %slice3A_13, %slice3A_17 : vector<1x512xf32>
    %max3A_20 = arith.maximumf %slice3A_14, %slice3A_18 : vector<1x512xf32>
    %add3A = arith.addf %slice3A, %slice3A_13 : vector<1x512xf32>
    %mul3A = arith.constant 5.000000e-01 : f32
    %mul3A_21 = vector.broadcast %mul3A : f32 to vector<1x512xf32>
    %mul3A_22 = arith.mulf %add3A, %mul3A_21 : vector<1x512xf32>
    %add3A_23 = arith.addf %slice3A_12, %slice3A_14 : vector<1x512xf32>
    %mul3A_24 = arith.constant 5.000000e-01 : f32
    %mul3A_25 = vector.broadcast %mul3A_24 : f32 to vector<1x512xf32>
    %mul3A_26 = arith.mulf %add3A_23, %mul3A_25 : vector<1x512xf32>
    %sub3A = arith.subf %slice3A_13, %slice3A : vector<1x512xf32>
    %mul3A_27 = arith.constant 5.000000e-01 : f32
    %mul3A_28 = vector.broadcast %mul3A_27 : f32 to vector<1x512xf32>
    %mul3A_29 = arith.mulf %sub3A, %mul3A_28 : vector<1x512xf32>
    %sub3A_30 = arith.subf %slice3A_14, %slice3A_12 : vector<1x512xf32>
    %mul3A_31 = arith.constant 5.000000e-01 : f32
    %mul3A_32 = vector.broadcast %mul3A_31 : f32 to vector<1x512xf32>
    %mul3A_33 = arith.mulf %sub3A_30, %mul3A_32 : vector<1x512xf32>
    %add3A_34 = arith.addf %slice3A_15, %slice3A_17 : vector<1x512xf32>
    %mul3A_35 = arith.constant 5.000000e-01 : f32
    %mul3A_36 = vector.broadcast %mul3A_35 : f32 to vector<1x512xf32>
    %mul3A_37 = arith.mulf %add3A_34, %mul3A_36 : vector<1x512xf32>
    %add3A_38 = arith.addf %slice3A_16, %slice3A_18 : vector<1x512xf32>
    %mul3A_39 = arith.constant 5.000000e-01 : f32
    %mul3A_40 = vector.broadcast %mul3A_39 : f32 to vector<1x512xf32>
    %mul3A_41 = arith.mulf %add3A_38, %mul3A_40 : vector<1x512xf32>
    %sub3A_42 = arith.subf %slice3A_17, %slice3A_15 : vector<1x512xf32>
    %mul3A_43 = arith.constant 5.000000e-01 : f32
    %mul3A_44 = vector.broadcast %mul3A_43 : f32 to vector<1x512xf32>
    %mul3A_45 = arith.mulf %sub3A_42, %mul3A_44 : vector<1x512xf32>
    %sub3A_46 = arith.subf %slice3A_18, %slice3A_16 : vector<1x512xf32>
    %mul3A_47 = arith.constant 5.000000e-01 : f32
    %mul3A_48 = vector.broadcast %mul3A_47 : f32 to vector<1x512xf32>
    %mul3A_49 = arith.mulf %sub3A_46, %mul3A_48 : vector<1x512xf32>
    %add3A_50 = arith.addf %min3A, %max3A : vector<1x512xf32>
    %mul3A_51 = arith.constant 5.000000e-01 : f32
    %mul3A_52 = vector.broadcast %mul3A_51 : f32 to vector<1x512xf32>
    %mul3A_53 = arith.mulf %add3A_50, %mul3A_52 : vector<1x512xf32>
    %add3A_54 = arith.addf %min3A_19, %max3A_20 : vector<1x512xf32>
    %mul3A_55 = arith.constant 5.000000e-01 : f32
    %mul3A_56 = vector.broadcast %mul3A_55 : f32 to vector<1x512xf32>
    %mul3A_57 = arith.mulf %add3A_54, %mul3A_56 : vector<1x512xf32>
    %sub3A_58 = arith.subf %max3A, %min3A : vector<1x512xf32>
    %mul3A_59 = arith.constant 5.000000e-01 : f32
    %mul3A_60 = vector.broadcast %mul3A_59 : f32 to vector<1x512xf32>
    %mul3A_61 = arith.mulf %sub3A_58, %mul3A_60 : vector<1x512xf32>
    %sub3A_62 = arith.subf %max3A_20, %min3A_19 : vector<1x512xf32>
    %mul3A_63 = arith.constant 5.000000e-01 : f32
    %mul3A_64 = vector.broadcast %mul3A_63 : f32 to vector<1x512xf32>
    %mul3A_65 = arith.mulf %sub3A_62, %mul3A_64 : vector<1x512xf32>
    %sub3A_66 = arith.subf %mul3A_22, %mul3A_37 : vector<1x512xf32>
    %div3A = arith.divf %sub3A_66, %mul3A_45 : vector<1x512xf32>
    %sub3A_67 = arith.subf %mul3A_26, %mul3A_41 : vector<1x512xf32>
    %div3A_68 = arith.divf %sub3A_67, %mul3A_49 : vector<1x512xf32>
    %div3A_69 = arith.divf %mul3A_29, %mul3A_45 : vector<1x512xf32>
    %log3A = math.log %div3A_69 : vector<1x512xf32>
    %mul3A_70 = arith.mulf %mul3A_33, %mul3A_49 : vector<1x512xf32>
    %log3A_71 = math.log %mul3A_70 : vector<1x512xf32>
    %sub3A_72 = arith.subf %mul3A_22, %mul3A_53 : vector<1x512xf32>
    %div3A_73 = arith.divf %sub3A_72, %mul3A_61 : vector<1x512xf32>
    %sub3A_74 = arith.subf %mul3A_26, %mul3A_57 : vector<1x512xf32>
    %div3A_75 = arith.divf %sub3A_74, %mul3A_65 : vector<1x512xf32>
    %div3A_76 = arith.divf %mul3A_29, %mul3A_61 : vector<1x512xf32>
    %log3A_77 = math.log %div3A_76 : vector<1x512xf32>
    %mul3A_78 = arith.mulf %mul3A_33, %mul3A_65 : vector<1x512xf32>
    %log3A_79 = math.log %mul3A_78 : vector<1x512xf32>
    %sub3A_80 = arith.subf %mul3A_53, %mul3A_37 : vector<1x512xf32>
    %div3A_81 = arith.divf %sub3A_80, %mul3A_45 : vector<1x512xf32>
    %sub3A_82 = arith.subf %mul3A_57, %mul3A_41 : vector<1x512xf32>
    %div3A_83 = arith.divf %sub3A_82, %mul3A_49 : vector<1x512xf32>
    %div3A_84 = arith.divf %mul3A_61, %mul3A_45 : vector<1x512xf32>
    %log3A_85 = math.log %div3A_84 : vector<1x512xf32>
    %mul3A_86 = arith.mulf %mul3A_65, %mul3A_49 : vector<1x512xf32>
    %log3A_87 = math.log %mul3A_86 : vector<1x512xf32>
    %div3A_88 = arith.constant 5.920000e+02 : f32
    %div3A_89 = vector.broadcast %div3A_88 : f32 to vector<1x512xf32>
    %div3A_90 = arith.divf %slice3A, %div3A_89 : vector<1x512xf32>
    %div3A_91 = arith.constant 5.920000e+02 : f32
    %div3A_92 = vector.broadcast %div3A_91 : f32 to vector<1x512xf32>
    %div3A_93 = arith.divf %slice3A_12, %div3A_92 : vector<1x512xf32>
    %add3A_94 = arith.addf %slice3A, %slice3A_13 : vector<1x512xf32>
    %div3A_95 = arith.constant 5.920000e+02 : f32
    %div3A_96 = vector.broadcast %div3A_95 : f32 to vector<1x512xf32>
    %div3A_97 = arith.divf %add3A_94, %div3A_96 : vector<1x512xf32>
    %add3A_98 = arith.addf %slice3A_12, %slice3A_14 : vector<1x512xf32>
    %div3A_99 = arith.constant 5.920000e+02 : f32
    %div3A_100 = vector.broadcast %div3A_99 : f32 to vector<1x512xf32>
    %div3A_101 = arith.divf %add3A_98, %div3A_100 : vector<1x512xf32>
    %mul3A_102 = arith.mulf %slice3A_13, %slice3A_14 : vector<1x512xf32>
    %div3A_103 = arith.constant 3.504640e+05 : f32
    %div3A_104 = vector.broadcast %div3A_103 : f32 to vector<1x512xf32>
    %div3A_105 = arith.divf %mul3A_102, %div3A_104 : vector<1x512xf32>
    %div3A_106 = arith.constant 5.920000e+02 : f32
    %div3A_107 = vector.broadcast %div3A_106 : f32 to vector<1x512xf32>
    %div3A_108 = arith.divf %slice3A_15, %div3A_107 : vector<1x512xf32>
    %div3A_109 = arith.constant 5.920000e+02 : f32
    %div3A_110 = vector.broadcast %div3A_109 : f32 to vector<1x512xf32>
    %div3A_111 = arith.divf %slice3A_16, %div3A_110 : vector<1x512xf32>
    %add3A_112 = arith.addf %slice3A_15, %slice3A_17 : vector<1x512xf32>
    %div3A_113 = arith.constant 5.920000e+02 : f32
    %div3A_114 = vector.broadcast %div3A_113 : f32 to vector<1x512xf32>
    %div3A_115 = arith.divf %add3A_112, %div3A_114 : vector<1x512xf32>
    %add3A_116 = arith.addf %slice3A_16, %slice3A_18 : vector<1x512xf32>
    %div3A_117 = arith.constant 5.920000e+02 : f32
    %div3A_118 = vector.broadcast %div3A_117 : f32 to vector<1x512xf32>
    %div3A_119 = arith.divf %add3A_116, %div3A_118 : vector<1x512xf32>
    %mul3A_120 = arith.mulf %slice3A_17, %slice3A_18 : vector<1x512xf32>
    %div3A_121 = arith.constant 3.504640e+05 : f32
    %div3A_122 = vector.broadcast %div3A_121 : f32 to vector<1x512xf32>
    %div3A_123 = arith.divf %mul3A_120, %div3A_122 : vector<1x512xf32>
    %broadcast_in_dim3A = arith.constant 0.000000e+00 : f32
    %broadcast_in_dim3A_124 = vector.broadcast %broadcast_in_dim3A : f32 to vector<1x512xf32>
    %concatenate3A = tpu.concatenate %div3A, %div3A_68, %log3A, %log3A_71, %div3A_73, %div3A_75, %log3A_77, %log3A_79, %div3A_81, %div3A_83, %log3A_85, %log3A_87, %div3A_90, %div3A_93, %div3A_97, %div3A_101, %div3A_105, %div3A_108, %div3A_111, %div3A_115, %div3A_119, %div3A_123, %broadcast_in_dim3A_124, %broadcast_in_dim3A_124, %broadcast_in_dim3A_124, %broadcast_in_dim3A_124, %broadcast_in_dim3A_124, %broadcast_in_dim3A_124, %broadcast_in_dim3A_124, %broadcast_in_dim3A_124, %broadcast_in_dim3A_124, %broadcast_in_dim3A_124 in 0 : vector<1x512xf32>, vector<1x512xf32>, vector<1x512xf32>, vector<1x512xf32>, vector<1x512xf32>, vector<1x512xf32>, vector<1x512xf32>, vector<1x512xf32>, vector<1x512xf32>, vector<1x512xf32>, vector<1x512xf32>, vector<1x512xf32>, vector<1x512xf32>, vector<1x512xf32>, vector<1x512xf32>, vector<1x512xf32>, vector<1x512xf32>, vector<1x512xf32>, vector<1x512xf32>, vector<1x512xf32>, vector<1x512xf32>, vector<1x512xf32>, vector<1x512xf32>, vector<1x512xf32>, vector<1x512xf32>, vector<1x512xf32>, vector<1x512xf32>, vector<1x512xf32>, vector<1x512xf32>, vector<1x512xf32>, vector<1x512xf32>, vector<1x512xf32> -> vector<32x512xf32>
    %get3A_125 = arith.constant 0 : index
    %get3A_126 = arith.constant 0 : index
    %get3A_127 = vector.load %arg7[%get3A_125, %get3A_126] : memref<32x512xf32, #tpu.memory_space<vmem>>, vector<32x512xf32>
    %dot_general3A_128 = arith.constant dense<0.000000e+00> : vector<512x512xf32>
    %dot_general3A_129 = tpu.matmul %concatenate3A, %get3A_127, %dot_general3A_128 {dimension_numbers = #tpu.dot_dimension_numbers<[0], [0], [1], [1], [0, 1, 1, 1], [], []>, transpose_lhs_hint = false} : vector<32x512xf32>, vector<32x512xf32>, vector<512x512xf32> -> vector<512x512xf32>
    %get3A_130 = arith.constant 0 : index
    %get3A_131 = arith.constant 0 : index
    %get3A_132 = vector.load %arg3[%get3A_130, %get3A_131] : memref<512x512xf32, #tpu.memory_space<vmem>>, vector<512x512xf32>
    %add3A_133 = arith.addf %dot_general3A_5, %get3A_132 : vector<512x512xf32>
    %get3A_134 = arith.constant 0 : index
    %get3A_135 = arith.constant 0 : index
    %get3A_136 = vector.load %arg4[%get3A_134, %get3A_135] : memref<512x512xf32, #tpu.memory_space<vmem>>, vector<512x512xf32>
    %add3A_137 = arith.addf %add3A_133, %get3A_136 : vector<512x512xf32>
    %add3A_138 = arith.addf %add3A_137, %dot_general3A_129 : vector<512x512xf32>
    %get3A_139 = arith.constant 0 : index
    %get3A_140 = arith.constant 0 : index
    %get3A_141 = vector.load %arg8[%get3A_139, %get3A_140] : memref<1x512xf32, #tpu.memory_space<vmem>>, vector<1x512xf32>
    %add3A_142 = vector.broadcast %get3A_141 : vector<1x512xf32> to vector<512x512xf32>
    %add3A_143 = arith.addf %add3A_138, %add3A_142 : vector<512x512xf32>
    %max3A_144 = arith.constant 0.000000e+00 : f32
    %max3A_145 = vector.broadcast %max3A_144 : f32 to vector<512x512xf32>
    %max3A_146 = arith.maximumf %add3A_143, %max3A_145 : vector<512x512xf32>
    %swap3A = arith.constant 0 : index
    %swap3A_147 = arith.constant 0 : index
    %swap3A_148 = vector.load %arg9[%swap3A, %swap3A_147] : memref<512x512xf32, #tpu.memory_space<vmem>>, vector<512x512xf32>
    tpu.vector_store %arg9[%swap3A, %swap3A_147], %max3A_146 {strides = array<i32>} : memref<512x512xf32, #tpu.memory_space<vmem>>, vector<512x512xf32>,
    return
  }
  func.func @transform_0(%arg0: i32) -> (i32, i32) {
    %c0_i32 = arith.constant 0 : i32
    %c0_i32_0 = arith.constant 0 : i32
    return %arg0, %c0_i32 : i32, i32
  }
  func.func @transform_1(%arg0: i32) -> (i32, i32) {
    %c0_i32 = arith.constant 0 : i32
    %c0_i32_0 = arith.constant 0 : i32
    %c0_i32_1 = arith.constant 0 : i32
    return %c0_i32, %c0_i32_0 : i32, i32
  }
  func.func @transform_2(%arg0: i32) -> (i32, i32) {
    %c0_i32 = arith.constant 0 : i32
    %c0_i32_0 = arith.constant 0 : i32
    return %arg0, %c0_i32 : i32, i32
  }
  func.func @transform_3(%arg0: i32) -> (i32, i32) {
    %c0_i32 = arith.constant 0 : i32
    %c0_i32_0 = arith.constant 0 : i32
    return %arg0, %c0_i32 : i32, i32
  }
  func.func @transform_4(%arg0: i32) -> (i32, i32) {
    %c0_i32 = arith.constant 0 : i32
    %c0_i32_0 = arith.constant 0 : i32
    return %c0_i32, %arg0 : i32, i32
  }
  func.func @transform_5(%arg0: i32) -> (i32, i32) {
    %c0_i32 = arith.constant 0 : i32
    %c0_i32_0 = arith.constant 0 : i32
    return %c0_i32, %arg0 : i32, i32
  }
  func.func @transform_6(%arg0: i32) -> (i32, i32) {
    %c0_i32 = arith.constant 0 : i32
    %c0_i32_0 = arith.constant 0 : i32
    %c0_i32_1 = arith.constant 0 : i32
    return %c0_i32, %c0_i32_0 : i32, i32
  }
  func.func @transform_7(%arg0: i32) -> (i32, i32) {
    %c0_i32 = arith.constant 0 : i32
    %c0_i32_0 = arith.constant 0 : i32
    %c0_i32_1 = arith.constant 0 : i32
    return %c0_i32, %c0_i32_0 : i32, i32
  }
  func.func @transform_8(%arg0: i32) -> (i32, i32) {
    %c0_i32 = arith.constant 0 : i32
    %c0_i32_0 = arith.constant 0 : i32
    return %arg0, %c0_i32 : i32, i32
  }
}

module attributes {stable_mosaic.version = 14 : i64} {
  func.func @_seg_node_body(%arg0: i32, %arg1: memref<8x4096xi32, #tpu.memory_space<vmem>>, %arg2: memref<8x4096xi32, #tpu.memory_space<vmem>>, %arg3: memref<4096x512xf32, #tpu.memory_space<vmem>>, %arg4: memref<512x512xbf16, #tpu.memory_space<vmem>>, %arg5: memref<512x512xbf16, #tpu.memory_space<vmem>>) attributes {dimension_semantics = [#tpu.dimension_semantics<arbitrary>], iteration_bounds = array<i64: 2>, scalar_prefetch = 0 : i64, scratch_operands = 0 : i64, tpu.core_type = #tpu.core_type<tc>, window_params = [{pipeline_mode = #tpu.pipeline_mode<synchronous>, transform_indices = @transform_0, window_bounds = array<i64: 8, 4096>}, {pipeline_mode = #tpu.pipeline_mode<synchronous>, transform_indices = @transform_1, window_bounds = array<i64: 8, 4096>}, {pipeline_mode = #tpu.pipeline_mode<synchronous>, transform_indices = @transform_2, window_bounds = array<i64: 4096, 512>}, {pipeline_mode = #tpu.pipeline_mode<synchronous>, transform_indices = @transform_3, window_bounds = array<i64: 512, 512>}, {transform_indices = @transform_4, window_bounds = array<i64: 512, 512>}]} {
    %mul3A = arith.constant 512 : i32
    %mul3A_0 = arith.muli %arg0, %mul3A : i32
    %iota3A = tpu.iota {dimensions = array<i32: 0>} : vector<512x4096xi32>
    %add3A = vector.broadcast %mul3A_0 : i32 to vector<512x4096xi32>
    %add3A_1 = arith.addi %iota3A, %add3A : vector<512x4096xi32>
    %get3A = arith.constant 0 : index
    %get3A_2 = arith.constant 0 : index
    %get3A_3 = vector.load %arg1[%get3A, %get3A_2] : memref<8x4096xi32, #tpu.memory_space<vmem>>, vector<1x4096xi32>
    %eq3A = vector.broadcast %get3A_3 : vector<1x4096xi32> to vector<512x4096xi32>
    %eq3A_4 = arith.cmpi eq, %add3A_1, %eq3A : vector<512x4096xi32>
    %convert_element_type3A = arith.extui %eq3A_4 : vector<512x4096xi1> to vector<512x4096xi32>
    %convert_element_type3A_5 = arith.sitofp %convert_element_type3A : vector<512x4096xi32> to vector<512x4096xf32>
    %convert_element_type3A_6 = arith.truncf %convert_element_type3A_5 : vector<512x4096xf32> to vector<512x4096xbf16>
    %get3A_7 = arith.constant 0 : index
    %get3A_8 = arith.constant 0 : index
    %get3A_9 = vector.load %arg2[%get3A_7, %get3A_8] : memref<8x4096xi32, #tpu.memory_space<vmem>>, vector<1x4096xi32>
    %eq3A_10 = vector.broadcast %get3A_9 : vector<1x4096xi32> to vector<512x4096xi32>
    %eq3A_11 = arith.cmpi eq, %add3A_1, %eq3A_10 : vector<512x4096xi32>
    %convert_element_type3A_12 = arith.extui %eq3A_11 : vector<512x4096xi1> to vector<512x4096xi32>
    %convert_element_type3A_13 = arith.sitofp %convert_element_type3A_12 : vector<512x4096xi32> to vector<512x4096xf32>
    %convert_element_type3A_14 = arith.truncf %convert_element_type3A_13 : vector<512x4096xf32> to vector<512x4096xbf16>
    %add3A_15 = arith.addf %convert_element_type3A_6, %convert_element_type3A_14 : vector<512x4096xbf16>
    %get3A_16 = arith.constant 0 : index
    %get3A_17 = arith.constant 0 : index
    %get3A_18 = vector.load %arg3[%get3A_16, %get3A_17] : memref<4096x512xf32, #tpu.memory_space<vmem>>, vector<4096x512xf32>
    %convert_element_type3A_19 = arith.truncf %get3A_18 : vector<4096x512xf32> to vector<4096x512xbf16>
    %dot_general3A = arith.constant dense<0.000000e+00> : vector<512x512xf32>
    %dot_general3A_20 = tpu.matmul %add3A_15, %convert_element_type3A_19, %dot_general3A {dimension_numbers = #tpu.dot_dimension_numbers<[1], [0], [0], [1], [0, 0, 1, 1], [], []>, transpose_lhs_hint = false} : vector<512x4096xbf16>, vector<4096x512xbf16>, vector<512x512xf32> -> vector<512x512xf32>
    %convert_element_type3A_21 = arith.truncf %dot_general3A_20 : vector<512x512xf32> to vector<512x512xbf16>
    %get3A_22 = arith.constant 0 : index
    %get3A_23 = arith.constant 0 : index
    %get3A_24 = vector.load %arg4[%get3A_22, %get3A_23] : memref<512x512xbf16, #tpu.memory_space<vmem>>, vector<512x512xbf16>
    %dot_general3A_25 = arith.constant dense<0.000000e+00> : vector<512x512xf32>
    %dot_general3A_26 = tpu.matmul %convert_element_type3A_21, %get3A_24, %dot_general3A_25 {dimension_numbers = #tpu.dot_dimension_numbers<[1], [0], [0], [1], [0, 0, 1, 1], [], []>, transpose_lhs_hint = false} : vector<512x512xbf16>, vector<512x512xbf16>, vector<512x512xf32> -> vector<512x512xf32>
    %max3A = arith.constant 0.000000e+00 : f32
    %max3A_27 = vector.broadcast %max3A : f32 to vector<512x512xf32>
    %max3A_28 = arith.maximumf %dot_general3A_26, %max3A_27 : vector<512x512xf32>
    %convert_element_type3A_29 = arith.truncf %max3A_28 : vector<512x512xf32> to vector<512x512xbf16>
    %swap3A = arith.constant 0 : index
    %swap3A_30 = arith.constant 0 : index
    %swap3A_31 = vector.load %arg5[%swap3A, %swap3A_30] : memref<512x512xbf16, #tpu.memory_space<vmem>>, vector<512x512xbf16>
    tpu.vector_store %arg5[%swap3A, %swap3A_30], %convert_element_type3A_29 {strides = array<i32>} : memref<512x512xbf16, #tpu.memory_space<vmem>>, vector<512x512xbf16>,
    return
  }
  func.func @transform_0(%arg0: i32) -> (i32, i32) {
    %c0_i32 = arith.constant 0 : i32
    %c0_i32_0 = arith.constant 0 : i32
    %c0_i32_1 = arith.constant 0 : i32
    return %c0_i32, %c0_i32_0 : i32, i32
  }
  func.func @transform_1(%arg0: i32) -> (i32, i32) {
    %c0_i32 = arith.constant 0 : i32
    %c0_i32_0 = arith.constant 0 : i32
    %c0_i32_1 = arith.constant 0 : i32
    return %c0_i32, %c0_i32_0 : i32, i32
  }
  func.func @transform_2(%arg0: i32) -> (i32, i32) {
    %c0_i32 = arith.constant 0 : i32
    %c0_i32_0 = arith.constant 0 : i32
    %c0_i32_1 = arith.constant 0 : i32
    return %c0_i32, %c0_i32_0 : i32, i32
  }
  func.func @transform_3(%arg0: i32) -> (i32, i32) {
    %c0_i32 = arith.constant 0 : i32
    %c0_i32_0 = arith.constant 0 : i32
    %c0_i32_1 = arith.constant 0 : i32
    return %c0_i32, %c0_i32_0 : i32, i32
  }
  func.func @transform_4(%arg0: i32) -> (i32, i32) {
    %c0_i32 = arith.constant 0 : i32
    %c0_i32_0 = arith.constant 0 : i32
    return %arg0, %c0_i32 : i32, i32
  }
}

module attributes {stable_mosaic.version = 14 : i64} {
  func.func @_edge_update_body(%arg0: i32, %arg1: memref<1024x1xi32, #tpu.memory_space<vmem>>, %arg2: memref<1024x1xi32, #tpu.memory_space<vmem>>, %arg3: memref<1024x512xbf16, #tpu.memory_space<vmem>>, %arg4: memref<1024x512xf32, #tpu.memory_space<vmem>>, %arg5: memref<512x128xbf16, #tpu.memory_space<vmem>>, %arg6: memref<1024x512xf32, #tpu.memory_space<vmem>>, %arg7: memref<1024x128xf32, #tpu.memory_space<vmem>>) attributes {dimension_semantics = [#tpu.dimension_semantics<arbitrary>], iteration_bounds = array<i64: 4>, scalar_prefetch = 0 : i64, scratch_operands = 0 : i64, tpu.core_type = #tpu.core_type<tc>, window_params = [{transform_indices = @transform_0, window_bounds = array<i64: 1024, 1>}, {transform_indices = @transform_1, window_bounds = array<i64: 1024, 1>}, {pipeline_mode = #tpu.pipeline_mode<synchronous>, transform_indices = @transform_2, window_bounds = array<i64: 1024, 512>}, {transform_indices = @transform_3, window_bounds = array<i64: 1024, 512>}, {pipeline_mode = #tpu.pipeline_mode<synchronous>, transform_indices = @transform_4, window_bounds = array<i64: 512, 128>}, {transform_indices = @transform_5, window_bounds = array<i64: 1024, 512>}, {transform_indices = @transform_6, window_bounds = array<i64: 1024, 128>}]} {
    %get3A = arith.constant 0 : index
    %get3A_0 = arith.constant 0 : index
    %get3A_1 = vector.load %arg1[%get3A, %get3A_0] : memref<1024x1xi32, #tpu.memory_space<vmem>>, vector<1024x1xi32>
    %get3A_2 = arith.constant 0 : index
    %get3A_3 = arith.constant 0 : index
    %get3A_4 = vector.load %arg2[%get3A_2, %get3A_3] : memref<1024x1xi32, #tpu.memory_space<vmem>>, vector<1024x1xi32>
    %iota3A = tpu.iota {dimensions = array<i32: 1>} : vector<1024x1024xi32>
    %eq3A = vector.broadcast %get3A_1 : vector<1024x1xi32> to vector<1024x1024xi32>
    %eq3A_5 = arith.cmpi eq, %eq3A, %iota3A : vector<1024x1024xi32>
    %convert_element_type3A = arith.extui %eq3A_5 : vector<1024x1024xi1> to vector<1024x1024xi32>
    %convert_element_type3A_6 = arith.sitofp %convert_element_type3A : vector<1024x1024xi32> to vector<1024x1024xf32>
    %convert_element_type3A_7 = arith.truncf %convert_element_type3A_6 : vector<1024x1024xf32> to vector<1024x1024xbf16>
    %eq3A_8 = vector.broadcast %get3A_4 : vector<1024x1xi32> to vector<1024x1024xi32>
    %eq3A_9 = arith.cmpi eq, %eq3A_8, %iota3A : vector<1024x1024xi32>
    %convert_element_type3A_10 = arith.extui %eq3A_9 : vector<1024x1024xi1> to vector<1024x1024xi32>
    %convert_element_type3A_11 = arith.sitofp %convert_element_type3A_10 : vector<1024x1024xi32> to vector<1024x1024xf32>
    %convert_element_type3A_12 = arith.truncf %convert_element_type3A_11 : vector<1024x1024xf32> to vector<1024x1024xbf16>
    %add3A = arith.addf %convert_element_type3A_7, %convert_element_type3A_12 : vector<1024x1024xbf16>
    %get3A_13 = arith.constant 0 : index
    %get3A_14 = arith.constant 0 : index
    %get3A_15 = vector.load %arg3[%get3A_13, %get3A_14] : memref<1024x512xbf16, #tpu.memory_space<vmem>>, vector<1024x512xbf16>
    %dot_general3A = arith.constant dense<0.000000e+00> : vector<1024x512xf32>
    %dot_general3A_16 = tpu.matmul %add3A, %get3A_15, %dot_general3A {dimension_numbers = #tpu.dot_dimension_numbers<[1], [0], [0], [1], [0, 0, 1, 1], [], []>, transpose_lhs_hint = false} : vector<1024x1024xbf16>, vector<1024x512xbf16>, vector<1024x512xf32> -> vector<1024x512xf32>
    %get3A_17 = arith.constant 0 : index
    %get3A_18 = arith.constant 0 : index
    %get3A_19 = vector.load %arg4[%get3A_17, %get3A_18] : memref<1024x512xf32, #tpu.memory_space<vmem>>, vector<1024x512xf32>
    %add3A_20 = arith.addf %get3A_19, %dot_general3A_16 : vector<1024x512xf32>
    %max3A = arith.constant 0.000000e+00 : f32
    %max3A_21 = vector.broadcast %max3A : f32 to vector<1024x512xf32>
    %max3A_22 = arith.maximumf %add3A_20, %max3A_21 : vector<1024x512xf32>
    %swap3A = arith.constant 0 : index
    %swap3A_23 = arith.constant 0 : index
    %swap3A_24 = vector.load %arg6[%swap3A, %swap3A_23] : memref<1024x512xf32, #tpu.memory_space<vmem>>, vector<1024x512xf32>
    tpu.vector_store %arg6[%swap3A, %swap3A_23], %max3A_22 {strides = array<i32>} : memref<1024x512xf32, #tpu.memory_space<vmem>>, vector<1024x512xf32>,
    %convert_element_type3A_25 = arith.truncf %max3A_22 : vector<1024x512xf32> to vector<1024x512xbf16>
    %get3A_26 = arith.constant 0 : index
    %get3A_27 = arith.constant 0 : index
    %get3A_28 = vector.load %arg5[%get3A_26, %get3A_27] : memref<512x128xbf16, #tpu.memory_space<vmem>>, vector<512x128xbf16>
    %dot_general3A_29 = arith.constant dense<0.000000e+00> : vector<1024x128xf32>
    %dot_general3A_30 = tpu.matmul %convert_element_type3A_25, %get3A_28, %dot_general3A_29 {dimension_numbers = #tpu.dot_dimension_numbers<[1], [0], [0], [1], [0, 0, 1, 1], [], []>, transpose_lhs_hint = false} : vector<1024x512xbf16>, vector<512x128xbf16>, vector<1024x128xf32> -> vector<1024x128xf32>
    %swap3A_31 = arith.constant 0 : index
    %swap3A_32 = arith.constant 0 : index
    %swap3A_33 = vector.load %arg7[%swap3A_31, %swap3A_32] : memref<1024x128xf32, #tpu.memory_space<vmem>>, vector<1024x128xf32>
    tpu.vector_store %arg7[%swap3A_31, %swap3A_32], %dot_general3A_30 {strides = array<i32>} : memref<1024x128xf32, #tpu.memory_space<vmem>>, vector<1024x128xf32>,
    return
  }
  func.func @transform_0(%arg0: i32) -> (i32, i32) {
    %c0_i32 = arith.constant 0 : i32
    %c0_i32_0 = arith.constant 0 : i32
    return %arg0, %c0_i32 : i32, i32
  }
  func.func @transform_1(%arg0: i32) -> (i32, i32) {
    %c0_i32 = arith.constant 0 : i32
    %c0_i32_0 = arith.constant 0 : i32
    return %arg0, %c0_i32 : i32, i32
  }
  func.func @transform_2(%arg0: i32) -> (i32, i32) {
    %c0_i32 = arith.constant 0 : i32
    %c0_i32_0 = arith.constant 0 : i32
    %c0_i32_1 = arith.constant 0 : i32
    return %c0_i32, %c0_i32_0 : i32, i32
  }
  func.func @transform_3(%arg0: i32) -> (i32, i32) {
    %c0_i32 = arith.constant 0 : i32
    %c0_i32_0 = arith.constant 0 : i32
    return %arg0, %c0_i32 : i32, i32
  }
  func.func @transform_4(%arg0: i32) -> (i32, i32) {
    %c0_i32 = arith.constant 0 : i32
    %c0_i32_0 = arith.constant 0 : i32
    %c0_i32_1 = arith.constant 0 : i32
    return %c0_i32, %c0_i32_0 : i32, i32
  }
  func.func @transform_5(%arg0: i32) -> (i32, i32) {
    %c0_i32 = arith.constant 0 : i32
    %c0_i32_0 = arith.constant 0 : i32
    return %arg0, %c0_i32 : i32, i32
  }
  func.func @transform_6(%arg0: i32) -> (i32, i32) {
    %c0_i32 = arith.constant 0 : i32
    %c0_i32_0 = arith.constant 0 : i32
    return %arg0, %c0_i32 : i32, i32
  }
}

module attributes {stable_mosaic.version = 14 : i64} {
  func.func @_edge_l_body(%arg0: i32, %arg1: memref<1024x1xi32, #tpu.memory_space<vmem>>, %arg2: memref<1024x1xi32, #tpu.memory_space<vmem>>, %arg3: memref<1024x512xbf16, #tpu.memory_space<vmem>>, %arg4: memref<1024x512xf32, #tpu.memory_space<vmem>>, %arg5: memref<512x128xbf16, #tpu.memory_space<vmem>>, %arg6: memref<1024x128xf32, #tpu.memory_space<vmem>>) attributes {dimension_semantics = [#tpu.dimension_semantics<arbitrary>], iteration_bounds = array<i64: 4>, scalar_prefetch = 0 : i64, scratch_operands = 0 : i64, tpu.core_type = #tpu.core_type<tc>, window_params = [{transform_indices = @transform_0, window_bounds = array<i64: 1024, 1>}, {transform_indices = @transform_1, window_bounds = array<i64: 1024, 1>}, {pipeline_mode = #tpu.pipeline_mode<synchronous>, transform_indices = @transform_2, window_bounds = array<i64: 1024, 512>}, {transform_indices = @transform_3, window_bounds = array<i64: 1024, 512>}, {pipeline_mode = #tpu.pipeline_mode<synchronous>, transform_indices = @transform_4, window_bounds = array<i64: 512, 128>}, {transform_indices = @transform_5, window_bounds = array<i64: 1024, 128>}]} {
    %get3A = arith.constant 0 : index
    %get3A_0 = arith.constant 0 : index
    %get3A_1 = vector.load %arg1[%get3A, %get3A_0] : memref<1024x1xi32, #tpu.memory_space<vmem>>, vector<1024x1xi32>
    %get3A_2 = arith.constant 0 : index
    %get3A_3 = arith.constant 0 : index
    %get3A_4 = vector.load %arg2[%get3A_2, %get3A_3] : memref<1024x1xi32, #tpu.memory_space<vmem>>, vector<1024x1xi32>
    %iota3A = tpu.iota {dimensions = array<i32: 1>} : vector<1024x1024xi32>
    %eq3A = vector.broadcast %get3A_1 : vector<1024x1xi32> to vector<1024x1024xi32>
    %eq3A_5 = arith.cmpi eq, %eq3A, %iota3A : vector<1024x1024xi32>
    %convert_element_type3A = arith.extui %eq3A_5 : vector<1024x1024xi1> to vector<1024x1024xi32>
    %convert_element_type3A_6 = arith.sitofp %convert_element_type3A : vector<1024x1024xi32> to vector<1024x1024xf32>
    %convert_element_type3A_7 = arith.truncf %convert_element_type3A_6 : vector<1024x1024xf32> to vector<1024x1024xbf16>
    %eq3A_8 = vector.broadcast %get3A_4 : vector<1024x1xi32> to vector<1024x1024xi32>
    %eq3A_9 = arith.cmpi eq, %eq3A_8, %iota3A : vector<1024x1024xi32>
    %convert_element_type3A_10 = arith.extui %eq3A_9 : vector<1024x1024xi1> to vector<1024x1024xi32>
    %convert_element_type3A_11 = arith.sitofp %convert_element_type3A_10 : vector<1024x1024xi32> to vector<1024x1024xf32>
    %convert_element_type3A_12 = arith.truncf %convert_element_type3A_11 : vector<1024x1024xf32> to vector<1024x1024xbf16>
    %add3A = arith.addf %convert_element_type3A_7, %convert_element_type3A_12 : vector<1024x1024xbf16>
    %get3A_13 = arith.constant 0 : index
    %get3A_14 = arith.constant 0 : index
    %get3A_15 = vector.load %arg3[%get3A_13, %get3A_14] : memref<1024x512xbf16, #tpu.memory_space<vmem>>, vector<1024x512xbf16>
    %dot_general3A = arith.constant dense<0.000000e+00> : vector<1024x512xf32>
    %dot_general3A_16 = tpu.matmul %add3A, %get3A_15, %dot_general3A {dimension_numbers = #tpu.dot_dimension_numbers<[1], [0], [0], [1], [0, 0, 1, 1], [], []>, transpose_lhs_hint = false} : vector<1024x1024xbf16>, vector<1024x512xbf16>, vector<1024x512xf32> -> vector<1024x512xf32>
    %get3A_17 = arith.constant 0 : index
    %get3A_18 = arith.constant 0 : index
    %get3A_19 = vector.load %arg4[%get3A_17, %get3A_18] : memref<1024x512xf32, #tpu.memory_space<vmem>>, vector<1024x512xf32>
    %add3A_20 = arith.addf %get3A_19, %dot_general3A_16 : vector<1024x512xf32>
    %max3A = arith.constant 0.000000e+00 : f32
    %max3A_21 = vector.broadcast %max3A : f32 to vector<1024x512xf32>
    %max3A_22 = arith.maximumf %add3A_20, %max3A_21 : vector<1024x512xf32>
    %convert_element_type3A_23 = arith.truncf %max3A_22 : vector<1024x512xf32> to vector<1024x512xbf16>
    %get3A_24 = arith.constant 0 : index
    %get3A_25 = arith.constant 0 : index
    %get3A_26 = vector.load %arg5[%get3A_24, %get3A_25] : memref<512x128xbf16, #tpu.memory_space<vmem>>, vector<512x128xbf16>
    %dot_general3A_27 = arith.constant dense<0.000000e+00> : vector<1024x128xf32>
    %dot_general3A_28 = tpu.matmul %convert_element_type3A_23, %get3A_26, %dot_general3A_27 {dimension_numbers = #tpu.dot_dimension_numbers<[1], [0], [0], [1], [0, 0, 1, 1], [], []>, transpose_lhs_hint = false} : vector<1024x512xbf16>, vector<512x128xbf16>, vector<1024x128xf32> -> vector<1024x128xf32>
    %swap3A = arith.constant 0 : index
    %swap3A_29 = arith.constant 0 : index
    %swap3A_30 = vector.load %arg6[%swap3A, %swap3A_29] : memref<1024x128xf32, #tpu.memory_space<vmem>>, vector<1024x128xf32>
    tpu.vector_store %arg6[%swap3A, %swap3A_29], %dot_general3A_28 {strides = array<i32>} : memref<1024x128xf32, #tpu.memory_space<vmem>>, vector<1024x128xf32>,
    return
  }
  func.func @transform_0(%arg0: i32) -> (i32, i32) {
    %c0_i32 = arith.constant 0 : i32
    %c0_i32_0 = arith.constant 0 : i32
    return %arg0, %c0_i32 : i32, i32
  }
  func.func @transform_1(%arg0: i32) -> (i32, i32) {
    %c0_i32 = arith.constant 0 : i32
    %c0_i32_0 = arith.constant 0 : i32
    return %arg0, %c0_i32 : i32, i32
  }
  func.func @transform_2(%arg0: i32) -> (i32, i32) {
    %c0_i32 = arith.constant 0 : i32
    %c0_i32_0 = arith.constant 0 : i32
    %c0_i32_1 = arith.constant 0 : i32
    return %c0_i32, %c0_i32_0 : i32, i32
  }
  func.func @transform_3(%arg0: i32) -> (i32, i32) {
    %c0_i32 = arith.constant 0 : i32
    %c0_i32_0 = arith.constant 0 : i32
    return %arg0, %c0_i32 : i32, i32
  }
  func.func @transform_4(%arg0: i32) -> (i32, i32) {
    %c0_i32 = arith.constant 0 : i32
    %c0_i32_0 = arith.constant 0 : i32
    %c0_i32_1 = arith.constant 0 : i32
    return %c0_i32, %c0_i32_0 : i32, i32
  }
  func.func @transform_5(%arg0: i32) -> (i32, i32) {
    %c0_i32 = arith.constant 0 : i32
    %c0_i32_0 = arith.constant 0 : i32
    return %arg0, %c0_i32 : i32, i32
  }
}

module attributes {stable_mosaic.version = 14 : i64} {
  func.func @_hh_body(%arg0: i32, %arg1: memref<1024x512xf32, #tpu.memory_space<vmem>>, %arg2: memref<1024x512xf32, #tpu.memory_space<vmem>>, %arg3: memref<16x1024xf32, #tpu.memory_space<vmem>>, %arg4: memref<16x512xf32, #tpu.memory_space<vmem>>, %arg5: memref<512x128xbf16, #tpu.memory_space<vmem>>, %arg6: memref<1024x128xf32, #tpu.memory_space<vmem>>, %arg7: memref<1024x128xf32, #tpu.memory_space<vmem>>, %arg8: memref<1024x128xf32, #tpu.memory_space<vmem>>) attributes {dimension_semantics = [#tpu.dimension_semantics<arbitrary>], iteration_bounds = array<i64: 4>, scalar_prefetch = 0 : i64, scratch_operands = 0 : i64, tpu.core_type = #tpu.core_type<tc>, window_params = [{transform_indices = @transform_0, window_bounds = array<i64: 1024, 512>}, {transform_indices = @transform_1, window_bounds = array<i64: 1024, 512>}, {transform_indices = @transform_2, window_bounds = array<i64: 16, 1024>}, {pipeline_mode = #tpu.pipeline_mode<synchronous>, transform_indices = @transform_3, window_bounds = array<i64: 16, 512>}, {pipeline_mode = #tpu.pipeline_mode<synchronous>, transform_indices = @transform_4, window_bounds = array<i64: 512, 128>}, {transform_indices = @transform_5, window_bounds = array<i64: 1024, 128>}, {transform_indices = @transform_6, window_bounds = array<i64: 1024, 128>}, {transform_indices = @transform_7, window_bounds = array<i64: 1024, 128>}]} {
    %get3A = arith.constant 0 : index
    %get3A_0 = arith.constant 0 : index
    %get3A_1 = vector.load %arg3[%get3A, %get3A_0] : memref<16x1024xf32, #tpu.memory_space<vmem>>, vector<16x1024xf32>
    %get3A_2 = arith.constant 0 : index
    %get3A_3 = arith.constant 0 : index
    %get3A_4 = vector.load %arg4[%get3A_2, %get3A_3] : memref<16x512xf32, #tpu.memory_space<vmem>>, vector<16x512xf32>
    %dot_general3A = arith.constant dense<0.000000e+00> : vector<1024x512xf32>
    %dot_general3A_5 = tpu.matmul %get3A_1, %get3A_4, %dot_general3A {dimension_numbers = #tpu.dot_dimension_numbers<[0], [0], [1], [1], [0, 1, 1, 1], [], []>, transpose_lhs_hint = false} : vector<16x1024xf32>, vector<16x512xf32>, vector<1024x512xf32> -> vector<1024x512xf32>
    %get3A_6 = arith.constant 0 : index
    %get3A_7 = arith.constant 0 : index
    %get3A_8 = vector.load %arg1[%get3A_6, %get3A_7] : memref<1024x512xf32, #tpu.memory_space<vmem>>, vector<1024x512xf32>
    %get3A_9 = arith.constant 0 : index
    %get3A_10 = arith.constant 0 : index
    %get3A_11 = vector.load %arg2[%get3A_9, %get3A_10] : memref<1024x512xf32, #tpu.memory_space<vmem>>, vector<1024x512xf32>
    %add3A = arith.addf %get3A_8, %get3A_11 : vector<1024x512xf32>
    %add3A_12 = arith.addf %add3A, %dot_general3A_5 : vector<1024x512xf32>
    %max3A = arith.constant 0.000000e+00 : f32
    %max3A_13 = vector.broadcast %max3A : f32 to vector<1024x512xf32>
    %max3A_14 = arith.maximumf %add3A_12, %max3A_13 : vector<1024x512xf32>
    %convert_element_type3A = arith.truncf %max3A_14 : vector<1024x512xf32> to vector<1024x512xbf16>
    %get3A_15 = arith.constant 0 : index
    %get3A_16 = arith.constant 0 : index
    %get3A_17 = vector.load %arg5[%get3A_15, %get3A_16] : memref<512x128xbf16, #tpu.memory_space<vmem>>, vector<512x128xbf16>
    %dot_general3A_18 = arith.constant dense<0.000000e+00> : vector<1024x128xf32>
    %dot_general3A_19 = tpu.matmul %convert_element_type3A, %get3A_17, %dot_general3A_18 {dimension_numbers = #tpu.dot_dimension_numbers<[1], [0], [0], [1], [0, 0, 1, 1], [], []>, transpose_lhs_hint = false} : vector<1024x512xbf16>, vector<512x128xbf16>, vector<1024x128xf32> -> vector<1024x128xf32>
    %swap3A = arith.constant 0 : index
    %swap3A_20 = arith.constant 0 : index
    %swap3A_21 = vector.load %arg7[%swap3A, %swap3A_20] : memref<1024x128xf32, #tpu.memory_space<vmem>>, vector<1024x128xf32>
    tpu.vector_store %arg7[%swap3A, %swap3A_20], %dot_general3A_19 {strides = array<i32>} : memref<1024x128xf32, #tpu.memory_space<vmem>>, vector<1024x128xf32>,
    %get3A_22 = arith.constant 0 : index
    %get3A_23 = arith.constant 0 : index
    %get3A_24 = vector.load %arg6[%get3A_22, %get3A_23] : memref<1024x128xf32, #tpu.memory_space<vmem>>, vector<1024x128xf32>
    %add3A_25 = arith.addf %get3A_24, %dot_general3A_19 : vector<1024x128xf32>
    %swap3A_26 = arith.constant 0 : index
    %swap3A_27 = arith.constant 0 : index
    %swap3A_28 = vector.load %arg8[%swap3A_26, %swap3A_27] : memref<1024x128xf32, #tpu.memory_space<vmem>>, vector<1024x128xf32>
    tpu.vector_store %arg8[%swap3A_26, %swap3A_27], %add3A_25 {strides = array<i32>} : memref<1024x128xf32, #tpu.memory_space<vmem>>, vector<1024x128xf32>,
    return
  }
  func.func @transform_0(%arg0: i32) -> (i32, i32) {
    %c0_i32 = arith.constant 0 : i32
    %c0_i32_0 = arith.constant 0 : i32
    return %arg0, %c0_i32 : i32, i32
  }
  func.func @transform_1(%arg0: i32) -> (i32, i32) {
    %c0_i32 = arith.constant 0 : i32
    %c0_i32_0 = arith.constant 0 : i32
    return %arg0, %c0_i32 : i32, i32
  }
  func.func @transform_2(%arg0: i32) -> (i32, i32) {
    %c0_i32 = arith.constant 0 : i32
    %c0_i32_0 = arith.constant 0 : i32
    return %c0_i32, %arg0 : i32, i32
  }
  func.func @transform_3(%arg0: i32) -> (i32, i32) {
    %c0_i32 = arith.constant 0 : i32
    %c0_i32_0 = arith.constant 0 : i32
    %c0_i32_1 = arith.constant 0 : i32
    return %c0_i32, %c0_i32_0 : i32, i32
  }
  func.func @transform_4(%arg0: i32) -> (i32, i32) {
    %c0_i32 = arith.constant 0 : i32
    %c0_i32_0 = arith.constant 0 : i32
    %c0_i32_1 = arith.constant 0 : i32
    return %c0_i32, %c0_i32_0 : i32, i32
  }
  func.func @transform_5(%arg0: i32) -> (i32, i32) {
    %c0_i32 = arith.constant 0 : i32
    %c0_i32_0 = arith.constant 0 : i32
    return %arg0, %c0_i32 : i32, i32
  }
  func.func @transform_6(%arg0: i32) -> (i32, i32) {
    %c0_i32 = arith.constant 0 : i32
    %c0_i32_0 = arith.constant 0 : i32
    return %arg0, %c0_i32 : i32, i32
  }
  func.func @transform_7(%arg0: i32) -> (i32, i32) {
    %c0_i32 = arith.constant 0 : i32
    %c0_i32_0 = arith.constant 0 : i32
    return %arg0, %c0_i32 : i32, i32
  }
}

</mosaic_0001>

<sc_bundles>
// kernel: kernel.11.cloned.1.call-start
scs
__scs_entry_jumppad:
0x0: {  	(pc) =	sbr.rel $0x88, $3  }
0x1: {  	(tag) =	ssettag $0x0;
	lr =	simm.s32 $0x1  }
0x2: {  	[smem:$0x3F8D] =	sst lr;
	_ =	strace $0xD0000000  }
0x3: {  	_ = 	snop  }
0x4: {  	_ = 	snop  }
0x5: {  	_ = 	snop  }
0x6: {  	_ = 	snop  }
0x7: {  	_ = 	snop  }
__scs_overlays_trampoline_lowered:
0x8: {  	[smem:$0x3F9C] =	sst s0  }
0x9: {  	[smem:$0x3F9D] =	sst s1  }
0xa: {  	[smem:$0x3F9E] =	sst s2  }
0xb: {  	[smem:$0x3F9F] =	sst s3  }
0xc: {  	[smem:$0x3FA0] =	sst s4  }
0xd: {  	[smem:$0x3FA1] =	sst s5  }
0xe: {  	[smem:$0x3FA2] =	sst s6  }
0xf: {  	[smem:$0x3FA3] =	sst s7  }
0x10: {  	[smem:$0x3FA4] =	sst s8  }
0x11: {  	[smem:$0x3FA5] =	sst s9;
	s0 =	simm.s32 @!p0 $0x0  }
0x12: {  	s1 =	sld [smem:$0x3F8B];
	s0 =	simm.s32 @p0 $0x1  }
0x13: {  	[smem:$0x3FA6] =	sst s0;
	s0 =	simm.s32 @!p1 $0x0  }
0x14: {  	s2 =	sld [smem:$0x3F8A];
	s0 =	simm.s32 @p1 $0x1  }
0x15: {  	[smem:$0x3FA7] =	sst s0;
	s0 =	simm.s32 @!p2 $0x0  }
0x16: {  	s3 =	sld [smem:$0x3FDB];
	s0 =	simm.s32 @p2 $0x1  }
0x17: {  	s4 =	simm.s32 $0x1BF5;
	[smem:$0x3FA9] =	sst s0  }
0x18: {  	s0 =	sld [smem:$0x3F8C];
	_ =	swait.ge [sflag:s4], $0x0  }
0x19: {  	s7 =	sld [smem:$0x3F8D]  }
0x1a: {  	s8 =	sadd.s32 $0xFFFFE003, lr  }
0x1b: {  	s9 =	sadd.s32 $0xFFFFFEF7, lr;
	s5 =	simm.s32 $0xFFFFFFFF;
	p2 =	slt.u32 s8, $0xFFFFF086  }
0x1c: {  	p1 =	slt.u32 s9, $0xF7A;
	s5 =	simm.s32 @!p2 $0x0  }
0x1d: {  	s5 =	simm.s32 @p1 $0x1;
	p0 =	seq.s32 s7, s2  }
0x1e: {  	s7 =	smul.u32 @!p0 $0xF7A, s2;
	p2 =	seq.s32 @!p0 s5, $0x0  }
0x1f: {  	s9 =	smul.u32 $0xF7A, s1;
	s8 =	simm.s32 @!p0 $0x1BF5;
	p2 =	por !p2, p0  }
0x20: {  	[sflag:s8] =	ssyncset.s32 @!p0 $0xFFFFF086;
	s6 =	sadd.s32 @!p0 s3, s7;
	s7 =	simm.s32 @!p0 $0x108  }
0x21: {  	s3 =	sadd.s32 s3, s9;
	s6 =	sadd.s32 @!p0 $0x88, s6;
	s7 =	simm.s32 @p2 $0x1082  }
0x22: {  	[simem:s7], [sflag:s8] =	dma.local @!p0 [hbm:s6], $0xF7A  }
0x23: {  	s9 =	sor.u32 $0xD0000000, s2;
	s6 =	simm.s32 $0x108;
	_ =	swait.ge @!p0 [sflag:s8], $0x0  }
0x24: {  	s3 =	sadd.s32 $0x88, s3;
	s6 =	simm.s32 @!p1 $0x1082;
	[sflag:s4] =	ssyncset.s32 $0xFFFFF086  }
0x25: {  	[simem:s6], [sflag:s4] =	dma.local [hbm:s3], $0xF7A  }
0x26: {  	[smem:$0x3F8D] =	sst s1;
	(tag) =	ssettag s2;
	_ =	strace s9  }
0x27: {  	s1 =	sld [smem:$0x3F9D]  }
0x28: {  	s2 =	sld [smem:$0x3F9E]  }
0x29: {  	s4 =	sld [smem:$0x3FA0]  }
0x2a: {  	p0 =	seq.s32 s5, $0x0;
	s5 =	sld [smem:$0x3FA1]  }
0x2b: {  	s6 =	sld [smem:$0x3FA2]  }
0x2c: {  	s7 =	sld [smem:$0x3FA3]  }
0x2d: {  	s3 =	simm.s32 $0x108;
	s8 =	sld [smem:$0x3FA4]  }
0x2e: {  	s3 =	simm.s32 @!p0 $0x1082;
	s9 =	sld [smem:$0x3FA5]  }
0x2f: {  	lr =	sadd.s32 s0, s3;
	s0 =	sld [smem:$0x3F9C]  }
0x30: {  	s3 =	sld [smem:$0x3F9F]  }
0x31: {  	[smem:$0x3FA8] =	sst s10  }
0x32: {  	s10 =	sld [smem:$0x3FA6];
	_ =	sdelay $0x3  }
0x33: {  	p0 =	seq.s32 s10, $0x1;
	s10 =	sld [smem:$0x3FA8];
	_ =	sdelay $0x3  }
0x34: {  	[smem:$0x3FA8] =	sst s10  }
0x35: {  	s10 =	sld [smem:$0x3FA7];
	_ =	sdelay $0x3  }
0x36: {  	p1 =	seq.s32 s10, $0x1;
	s10 =	sld [smem:$0x3FA8];
	_ =	sdelay $0x3  }
0x37: {  	[smem:$0x3FA8] =	sst s10  }
0x38: {  	s10 =	sld [smem:$0x3FA9]  }
0x39: {  	_ = 	snop;
	(pc) =	sbr.ind lr, $3  }
0x3a: {  	_ = 	snop  }
0x3b: {  	_ = 	snop  }
0x3c: {  	p2 =	seq.s32 s10, $0x1;
	s10 =	sld [smem:$0x3FA8]  }
0x3d: {  	_ =	shalt  }
0x3e: {  	_ =	shalt  }
0x3f: {  	_ =	shalt  }
0x40: {  	_ =	shalt  }
0x41: {  	_ =	shalt  }
0x42: {  	_ =	shalt  }
0x43: {  	_ =	shalt  }
0x44: {  	_ =	shalt  }
0x45: {  	_ =	shalt  }
0x46: {  	_ =	shalt  }
0x47: {  	_ =	shalt  }
0x48: {  	_ =	shalt  }
0x49: {  	_ =	shalt  }
0x4a: {  	_ =	shalt  }
0x4b: {  	_ =	shalt  }
0x4c: {  	_ =	shalt  }
0x4d: {  	_ =	shalt  }
0x4e: {  	_ =	shalt  }
0x4f: {  	_ =	shalt  }
0x50: {  	_ =	shalt  }
0x51: {  	_ =	shalt  }
0x52: {  	_ =	shalt  }
0x53: {  	_ =	shalt  }
0x54: {  	_ =	shalt  }
0x55: {  	_ =	shalt  }
0x56: {  	_ =	shalt  }
0x57: {  	_ =	shalt  }
0x58: {  	_ =	shalt  }
0x59: {  	_ =	shalt  }
0x5a: {  	_ =	shalt  }
0x5b: {  	_ =	shalt  }
0x5c: {  	_ =	shalt  }
0x5d: {  	_ =	shalt  }
0x5e: {  	_ =	shalt  }
0x5f: {  	_ =	shalt  }
0x60: {  	_ =	shalt  }
0x61: {  	_ =	shalt  }
0x62: {  	_ =	shalt  }
0x63: {  	_ =	shalt  }
0x64: {  	_ =	shalt  }
0x65: {  	_ =	shalt  }
0x66: {  	_ =	shalt  }
0x67: {  	_ =	shalt  }
0x68: {  	_ =	shalt  }
0x69: {  	_ =	shalt  }
0x6a: {  	_ =	shalt  }
0x6b: {  	_ =	shalt  }
0x6c: {  	_ =	shalt  }
0x6d: {  	_ =	shalt  }
0x6e: {  	_ =	shalt  }
0x6f: {  	_ =	shalt  }
0x70: {  	_ =	shalt  }
0x71: {  	_ =	shalt  }
0x72: {  	_ =	shalt  }
0x73: {  	_ =	shalt  }
0x74: {  	_ =	shalt  }
0x75: {  	_ =	shalt  }
0x76: {  	_ =	shalt  }
0x77: {  	_ =	shalt  }
0x78: {  	_ =	shalt  }
0x79: {  	_ =	shalt  }
0x7a: {  	_ =	shalt  }
0x7b: {  	_ =	shalt  }
0x7c: {  	_ =	shalt  }
0x7d: {  	_ =	shalt  }
0x7e: {  	_ =	shalt  }
0x7f: {  	_ =	shalt  }
0x80: {  	_ =	shalt  }
0x81: {  	_ =	shalt  }
0x82: {  	_ =	shalt  }
0x83: {  	_ =	shalt  }
0x84: {  	_ =	shalt  }
0x85: {  	_ =	shalt  }
0x86: {  	_ =	shalt  }
0x87: {  	_ =	shalt  }
.Lfunc_end0:
.L_simem_size_0:
called_computation_lowered:
.L_overlay_start_0:
0x88: {  	s2 =	sld [smem:$0x3FD9]  }
0x89: {  	s3 =	sld [smem:$0x3FFE];
	_ =	sdelay $0x1  }
0x8a: {  	s1 =	srdreg.scid  }
0x8b: {  	s0 =	sand.u32 $0x1, s1  }
0x8c: {  	s14 =	sshll.u32 s0, $0xA;
	s2 =	sadd.s32 s3, s2  }
0x8d: {  	s2 =	sadd.s32 s2, s14  }
0x8e: {  	[smem:$0x3FB4] =	sst s2  }
0x8f: {  	_ = 	snop  }
0x90: {  	s2 =	sld [smem:$0x3FD0];
	_ =	sdelay $0x2  }
0x91: {  	s15 =	simm.s32 $0xA;
	s4 =	simm.s32 $0x10  }
0x92: {  	[smem:s4], [sflag:s15] =	dma.local [hbm:s2], $0x1  }
0x93: {  	_ =	swait.eq [sflag:s15], $0x1  }
0x94: {  	s16 =	sld [smem:$0x10];
	[sflag:s15] =	ssyncset.done $0x0  }
0x95: {  	s17 =	sld [smem:$0x13];
	[sflag:s15] =	ssyncadd.s32 $0xFFFFFFFF  }
0x96: {  	s18 =	sld [smem:$0x14];
	(tm) =	ssettm $0x1  }
0x97: {  	s5 =	sld [smem:$0x3FFB];
	_ =	sdelay $0x3  }
0x98: {  	_ =	strace s5  }
0x99: {  	s5 =	sld [smem:$0x3FFC];
	_ =	sdelay $0x3  }
0x9a: {  	_ =	strace s5  }
0x9b: {  	s5 =	sld [smem:$0x3FFD];
	_ =	sdelay $0x3  }
0x9c: {  	_ =	strace s5  }
0x9d: {  	_ =	strace $0x8FFFFFFF  }
0x9e: {  	s19 =	sld [smem:$0x3FDB];
	_ =	sdelay $0x1  }
0x9f: {  	s6 =	simm.s32 $_scs_section_size  }
0xa0: {  	s7 =	simm.s32 $_size__tile_overlayer_lowered;
	s8 =	simm.s32 $_tile_overlayer_lowered  }
0xa1: {  	s22 =	simm.s32 $0x1BFF;
	s21 =	sshll.u32 s8, $0x1;
	s5 =	sadd.s32 s6, s19  }
0xa2: {  	s9 =	simm.s32 $0x0;
	s20 =	sshll.u32 s7, $0x1;
	s7 =	sadd.s32 s21, s5  }
0xa3: {  	[timem:s9], [sflag:s22] =	dma.local [hbm:s7], s20  }
0xa4: {  	_ =	swait.ge [sflag:s22], s20  }
0xa5: {  	s6 =	ssub.s32 $0x0, s20;
	[sflag:s22] =	ssyncset.done $0x0  }
0xa6: {  	[sflag:s22] =	ssyncadd.s32 s6;
	_ =	sdelay $0x1  }
0xa7: {  	s23 =	simm.s32 $0x1B8B  }
0xa8: {  	_ =	swait.ge [sflag:s23], $0x1  }
0xa9: {  	[sflag:s23] =	ssyncset.done $0x0  }
0xaa: {  	s25 =	simm.s32 $0x1B8E;
	s24 =	sld [smem:$0x3FFE];
	[sflag:s23] =	ssyncadd.s32 $0xFFFFFFFF  }
0xab: {  	s26 =	simm.s32 $execute0_lowered;
	[smem:$0x3FD2] =	sst s25  }
0xac: {  	s7 =	sshll.u32 s26, $0x1;
	_ =	strace $0x80000046;
	[dreg:$0x1] =	wrdreg $0xFFFFFFFF  }
0xad: {  	s28 =	simm.s32 $_size_execute0_lowered;
	s5 =	sadd.s32 s5, s7;
	[dreg:$0x0] =	wrdreg $0x0  }
0xae: {  	s7 =	sshll.u32 s28, $0x1;
	[dreg:$0x2] =	wrdreg s5  }
0xaf: {  	[dreg:$0x3] =	wrdreg s7  }
0xb0: {  	[dreg:$0x4] =	wrdreg $0xC0  }
0xb1: {  	_ =	task [dreg:s9], $0x5FFFF  }
0xb2: {  	[dreg:$0x1] =	wrdreg $0xFFFFFFFF  }
0xb3: {  	[dreg:$0x0] =	wrdreg $0x60  }
0xb4: {  	[dreg:$0x2] =	wrdreg s16  }
0xb5: {  	[dreg:$0x3] =	wrdreg s24  }
0xb6: {  	[dreg:$0x4] =	wrdreg s17  }
0xb7: {  	[dreg:$0x5] =	wrdreg s18  }
0xb8: {  	[dreg:$0x6] =	wrdreg $0x9  }
0xb9: {  	_ =	task.clear_ibuf [dreg:s9], $0x7FFFF;
	_ =	strace $0x90000046  }
0xba: {  	s29 =	simm.s32 $0x9;
	_ =	strace $0x80000048  }
0xbb: {  	_ =	swait.ge [sflag:s29], $0x1  }
0xbc: {  	[sflag:s29] =	ssyncadd.s32 $0xFFFFFFFF  }
0xbd: {  	_ =	strace $0x90000048  }
0xbe: {  	_ =	sfence  }
0xbf: {  	s30 =	sld [smem:$0x0];
	_ =	sdelay $0x2  }
0xc0: {  	s31 =	sshll.u32 s1, $0xD;
	s1 =	sshrl.u32 s1, $0x2  }
0xc1: {  	s3 =	sand.u32 $0x4000, s31;
	s1 =	sadd.s32 s1, s30  }
0xc2: {  	s0 =	sor.u32 s3, s0;
	s1 =	sshll.u32 s1, $0x11  }
0xc3: {  	s0 =	sor.u32 s1, s0  }
0xc4: {  	s0 =	sadd.s32 $0x8F2B, s0  }
0xc5: {  	[sflag:s0] =	ssyncadd.remote.s32 $0x1  }
0xc6: {  	_ =	sfence.sel $0xFFFF  }
0xc7: {  	[dreg:$0x0] =	wrdreg $0xFFFFFFFF;
	(pc) =	sbr.abs _section_cstart, $3  }
0xc8: {  	[dreg:$0x1] =	wrdreg $0xFFFFFFFF  }
0xc9: {  	_ =	task.clear_ibuf [dreg:s9], $0x2FFFF;
	_ =	strace $0x9FFFFFFF  }
0xca: {  	(tm) =	ssettm $0x7FFFFFFF  }
0xcb: {  	_ =	shalt  }
tec
execute0_lowered:
.L_overlay_start_1:
0x0: {  	(tag) =	ssettag $0x1  }
0x1: {  	s0 =	rddreg [dreg:$0x1]  }
0x2: {  	s2 =	rddreg [dreg:$0x2]  }
0x3: {  	s7 =	rddreg [dreg:$0x3];
	s4 =	srdreg.scid;
	s3 =	simm.s32 $0x0  }
0x4: {  	s5 =	stileid.u32;
	s28 =	simm.s32 $0x4;
	s29 =	simm.s32 $0x2  }
0x5: {  	s31 =	simm.s32 $0x5;
	s30 =	simm.s32 $0x19900;
	s8 =	sand.u32 $0x1, s4  }
0x6: {  	[smem:$0x7FF] =	sst s3;
	s19 =	sshll.u32 s5, $0x8;
	s4 =	sadd.s32 $0x4E00, s0  }
0x7: {  	s5 =	sadd.s32 $0x14E00, s0;
	s6 =	sadd.s32 $0x24E00, s0;
	s11 =	sadd.s32 $0x34E00, s0  }
0x8: {  	s12 =	sadd.s32 $0x44E00, s0;
	s13 =	sadd.s32 $0x54E00, s0;
	s15 =	sadd.s32 $0x94E00, s0  }
0x9: {  	s25 =	sadd.s32 $0xD4E00, s0;
	s16 =	sadd.s32 $0x114E00, s0;
	s20 =	sshll.u32 s8, $0x7  }
0xa: {  	_ =	strace $0x80000047;
	s8 =	ssub.s32 $0x2, s8;
	s9 =	sor.u32 s20, s19  }
0xb: {  	s17 =	sshrl.u32 s8, $0x1;
	s10 =	sshrl.u32 s9, $0x3;
	s22 =	sshll.u32 s9, $0x6  }
0xc: {  	s19 =	ssub.s32 s8, s17;
	s9 =	sshll.u32 s9, $0x4;
	s2 =	sadd.s32 s2, s10  }
0xd: {  	s8 =	sadd.s32 $0x14F00, s0;
	s21 =	sadd.s32 s7, s10;
	[dreg:$0x5] =	wrdreg s2  }
0xe: {  	s17 =	simm.s32 $0x15100;
	s23 =	sadd.s32 s13, s22;
	[dreg:$0x6] =	wrdreg s21  }
0xf: {  	s10 =	sor.u32 $0x8, s10;
	s26 =	sadd.s32 s15, s22;
	[dreg:$0x7] =	wrdreg s23  }
0x10: {  	s20 =	sadd.s32 s16, s22;
	s7 =	sadd.s32 $0x4F00, s0;
	[dreg:$0x9] =	wrdreg s26  }
0x11: {  	s14 =	sshll.u32 s10, $0x9;
	[dreg:$0xd] =	wrdreg s20;
	s26 =	simm.s32 $0xC0  }
0x12: {  	s10 =	sshll.u32 s10, $0x7;
	s24 =	sadd.s32 s13, s14;
	[dreg:$0x13] =	wrdreg s26  }
0x13: {  	s20 =	simm.s32 $0x16900;
	s1 =	sadd.s32 s15, s14;
	[dreg:$0x8] =	wrdreg s24  }
0x14: {  	s15 =	sadd.s32 s25, s22;
	s18 =	sadd.s32 s25, s14;
	[dreg:$0xa] =	wrdreg s1  }
0x15: {  	s21 =	sadd.s32 s16, s14;
	s22 =	sadd.s32 s11, s9;
	[dreg:$0xb] =	wrdreg s15  }
0x16: {  	s23 =	sadd.s32 s11, s10;
	s25 =	sadd.s32 s12, s10;
	[dreg:$0xc] =	wrdreg s18  }
0x17: {  	s10 =	smax.u32 s19, $0x1;
	s11 =	simm.s32 $0x8;
	[dreg:$0xe] =	wrdreg s21  }
0x18: {  	s14 =	simm.s32 $0x1;
	s19 =	simm.s32 $0x16100;
	[dreg:$0xf] =	wrdreg s22  }
0x19: {  	[dreg:$0x10] =	wrdreg s23;
	s24 =	sadd.s32 s12, s9;
	s9 =	sadd.s32 $0x24F00, s0  }
0x1a: {  	v2 =	vlaneseq.u32;
	[dreg:$0x12] =	wrdreg s25;
	s15 =	simm.s32 $0x7;
	s18 =	simm.s32 $0x15900  }
0x1b: {  	vm0 =	vmmov $0xffff;
	v1 =	vshrl.u32 v2, $0x3;
	s21 =	simm.s32 $0x17100;
	s22 =	simm.s32 $0x17900;
	s23 =	simm.s32 $0x18100  }
0x1c: {  	v0 =	vand.u32 $0x7, v2;
	v2 =	vor.u32 $0x8, v2;
	v1 =	vmul.u32 $0x8, v1;
	s25 =	simm.s32 $0x19100;
	[dreg:$0x11] =	wrdreg s24;
	s24 =	simm.s32 $0x18900  }
.LBB2_1:
0x1d: {  	s16 =	rddreg [dreg:$0x5]  }
0x1e: {  	[tilespmem:s3], [sflag:$0x8] =	stream.linear.gather [hbm4b:s16+s3], $0x80, $0x38;
	[tilespmem:$0x1A100] =	vst v63  }
0x1f: {  	_ =	swait.ge [sflag:s11], $0x80  }
0x20: {  	[sflag:s11] =	ssyncset.done $0x0  }
0x21: {  	s0 =	simm.s32 $0x80;
	s13 =	rddreg [dreg:$0x6];
	[sflag:s11] =	ssyncadd.s32 $0xFFFFFF80  }
0x22: {  	[tilespmem:s0], [sflag:$0x8] =	stream.linear.gather [hbm4b:s13+s3], $0x80, $0x38;
	[tilespmem:$0x1A100] =	vst v63  }
0x23: {  	_ =	swait.ge [sflag:s11], $0x80  }
0x24: {  	[sflag:s11] =	ssyncset.done $0x0  }
0x25: {  	[sflag:s11] =	ssyncadd.s32 $0xFFFFFF80  }
0x26: {  	v3 =	vld [tilespmem:$0x0];
	_ =	sdelay $0x4  }
0x27: {  	v4 =	vshll.u32 v3, $0x2  }
0x28: {  	v3 =	vand.u32 $0x7, v3;
	v4 =	vand.u32 $0xFFFFFFE0, v4  }
0x29: {  	v3 =	vor.u32 v3, v4  }
0x2a: {  	v4 =	vperm.xlane v3, v0;
	_ =	sdelay $0x1  }
0x2b: {  	v4 =	vadd.s32 v1, v4;
	_ =	sdelay $0x1  }
0x2c: {  	v3 =	vperm.xlane v3, v2;
	_ =	sdelay $0x1  }
0x2d: {  	s26 =	simm.s32 $0x2100;
	v3 =	vadd.s32 v1, v3  }
0x2e: {  	[tilespmem:s26], [sflag:$0x1] =	stream.indirect_vreg.gather [hbm4b:s4+s3], $0x80, v4, vm0, $0xb8;
	[tilespmem:$0x1A100] =	vst v63  }
0x2f: {  	s1 =	simm.s32 $0x2900  }
0x30: {  	[tilespmem:s1], [sflag:$0x1] =	stream.indirect_vreg.gather [hbm4b:s7+s3], $0x80, v4, vm0, $0xb8;
	[tilespmem:$0x1A100] =	vst v63  }
0x31: {  	s12 =	simm.s32 $0x3100  }
0x32: {  	[tilespmem:s12], [sflag:$0x1] =	stream.indirect_vreg.gather [hbm4b:s4+s3], $0x80, v3, vm0, $0xb8;
	[tilespmem:$0x1A100] =	vst v63  }
0x33: {  	s13 =	simm.s32 $0x3900  }
0x34: {  	[tilespmem:s13], [sflag:$0x1] =	stream.indirect_vreg.gather [hbm4b:s7+s3], $0x80, v3, vm0, $0xb8;
	[tilespmem:$0x1A100] =	vst v63  }
0x35: {  	v3 =	vld [tilespmem:$0x10];
	_ =	sdelay $0x4  }
0x36: {  	v33 =	vshll.u32 v3, $0x2  }
0x37: {  	v3 =	vand.u32 $0x7, v3;
	v4 =	vand.u32 $0xFFFFFFE0, v33  }
0x38: {  	v3 =	vor.u32 v3, v4  }
0x39: {  	v4 =	vperm.xlane v3, v0;
	_ =	sdelay $0x1  }
0x3a: {  	v4 =	vadd.s32 v1, v4;
	_ =	sdelay $0x1  }
0x3b: {  	v3 =	vperm.xlane v3, v2;
	_ =	sdelay $0x1  }
0x3c: {  	s16 =	simm.s32 $0x4100;
	v3 =	vadd.s32 v1, v3  }
0x3d: {  	[tilespmem:s16], [sflag:$0x1] =	stream.indirect_vreg.gather [hbm4b:s4+s3], $0x80, v4, vm0, $0xb8;
	[tilespmem:$0x1A100] =	vst v63  }
0x3e: {  	s26 =	simm.s32 $0x4900  }
0x3f: {  	[tilespmem:s26], [sflag:$0x1] =	stream.indirect_vreg.gather [hbm4b:s7+s3], $0x80, v4, vm0, $0xb8;
	[tilespmem:$0x1A100] =	vst v63  }
0x40: {  	s1 =	simm.s32 $0x5100  }
0x41: {  	[tilespmem:s1], [sflag:$0x1] =	stream.indirect_vreg.gather [hbm4b:s4+s3], $0x80, v3, vm0, $0xb8;
	[tilespmem:$0x1A100] =	vst v63  }
0x42: {  	s13 =	simm.s32 $0x5900  }
0x43: {  	[tilespmem:s13], [sflag:$0x1] =	stream.indirect_vreg.gather [hbm4b:s7+s3], $0x80, v3, vm0, $0xb8;
	[tilespmem:$0x1A100] =	vst v63  }
0x44: {  	v3 =	vld [tilespmem:$0x20];
	_ =	sdelay $0x4  }
0x45: {  	v34 =	vshll.u32 v3, $0x2  }
0x46: {  	v3 =	vand.u32 $0x7, v3;
	v4 =	vand.u32 $0xFFFFFFE0, v34  }
0x47: {  	v3 =	vor.u32 v3, v4  }
0x48: {  	v4 =	vperm.xlane v3, v0;
	_ =	sdelay $0x1  }
0x49: {  	v4 =	vadd.s32 v1, v4;
	_ =	sdelay $0x1  }
0x4a: {  	v3 =	vperm.xlane v3, v2;
	_ =	sdelay $0x1  }
0x4b: {  	s16 =	simm.s32 $0x6100;
	v3 =	vadd.s32 v1, v3  }
0x4c: {  	[tilespmem:s16], [sflag:$0x1] =	stream.indirect_vreg.gather [hbm4b:s4+s3], $0x80, v4, vm0, $0xb8;
	[tilespmem:$0x1A100] =	vst v63  }
0x4d: {  	s1 =	simm.s32 $0x6900  }
0x4e: {  	[tilespmem:s1], [sflag:$0x1] =	stream.indirect_vreg.gather [hbm4b:s7+s3], $0x80, v4, vm0, $0xb8;
	[tilespmem:$0x1A100] =	vst v63  }
0x4f: {  	s13 =	simm.s32 $0x7100  }
0x50: {  	[tilespmem:s13], [sflag:$0x1] =	stream.indirect_vreg.gather [hbm4b:s4+s3], $0x80, v3, vm0, $0xb8;
	[tilespmem:$0x1A100] =	vst v63  }
0x51: {  	s16 =	simm.s32 $0x7900  }
0x52: {  	[tilespmem:s16], [sflag:$0x1] =	stream.indirect_vreg.gather [hbm4b:s7+s3], $0x80, v3, vm0, $0xb8;
	[tilespmem:$0x1A100] =	vst v63  }
0x53: {  	v3 =	vld [tilespmem:$0x30];
	_ =	sdelay $0x4  }
0x54: {  	v35 =	vshll.u32 v3, $0x2  }
0x55: {  	v3 =	vand.u32 $0x7, v3;
	v4 =	vand.u32 $0xFFFFFFE0, v35  }
0x56: {  	v3 =	vor.u32 v3, v4  }
0x57: {  	v4 =	vperm.xlane v3, v0;
	_ =	sdelay $0x1  }
0x58: {  	v4 =	vadd.s32 v1, v4;
	_ =	sdelay $0x1  }
0x59: {  	v3 =	vperm.xlane v3, v2;
	_ =	sdelay $0x1  }
0x5a: {  	s1 =	simm.s32 $0x8100;
	v3 =	vadd.s32 v1, v3  }
0x5b: {  	[tilespmem:s1], [sflag:$0x1] =	stream.indirect_vreg.gather [hbm4b:s4+s3], $0x80, v4, vm0, $0xb8;
	[tilespmem:$0x1A100] =	vst v63  }
0x5c: {  	s13 =	simm.s32 $0x8900  }
0x5d: {  	[tilespmem:s13], [sflag:$0x1] =	stream.indirect_vreg.gather [hbm4b:s7+s3], $0x80, v4, vm0, $0xb8;
	[tilespmem:$0x1A100] =	vst v63  }
0x5e: {  	s16 =	simm.s32 $0x9100  }
0x5f: {  	[tilespmem:s16], [sflag:$0x1] =	stream.indirect_vreg.gather [hbm4b:s4+s3], $0x80, v3, vm0, $0xb8;
	[tilespmem:$0x1A100] =	vst v63  }
0x60: {  	s1 =	simm.s32 $0x9900  }
0x61: {  	[tilespmem:s1], [sflag:$0x1] =	stream.indirect_vreg.gather [hbm4b:s7+s3], $0x80, v3, vm0, $0xb8;
	[tilespmem:$0x1A100] =	vst v63  }
0x62: {  	v3 =	vld [tilespmem:$0x40];
	_ =	sdelay $0x4  }
0x63: {  	v36 =	vshll.u32 v3, $0x2  }
0x64: {  	v3 =	vand.u32 $0x7, v3;
	v4 =	vand.u32 $0xFFFFFFE0, v36  }
0x65: {  	v3 =	vor.u32 v3, v4  }
0x66: {  	v4 =	vperm.xlane v3, v0;
	_ =	sdelay $0x1  }
0x67: {  	v4 =	vadd.s32 v1, v4;
	_ =	sdelay $0x1  }
0x68: {  	v3 =	vperm.xlane v3, v2;
	_ =	sdelay $0x1  }
0x69: {  	s0 =	simm.s32 $0xA100;
	v3 =	vadd.s32 v1, v3  }
0x6a: {  	[tilespmem:s0], [sflag:$0x2] =	stream.indirect_vreg.gather [hbm4b:s4+s3], $0x80, v4, vm0, $0xb8;
	[tilespmem:$0x1A100] =	vst v63  }
0x6b: {  	s1 =	simm.s32 $0xA900  }
0x6c: {  	[tilespmem:s1], [sflag:$0x2] =	stream.indirect_vreg.gather [hbm4b:s7+s3], $0x80, v4, vm0, $0xb8;
	[tilespmem:$0x1A100] =	vst v63  }
0x6d: {  	s13 =	simm.s32 $0xB100  }
0x6e: {  	[tilespmem:s13], [sflag:$0x2] =	stream.indirect_vreg.gather [hbm4b:s4+s3], $0x80, v3, vm0, $0xb8;
	[tilespmem:$0x1A100] =	vst v63  }
0x6f: {  	s16 =	simm.s32 $0xB900  }
0x70: {  	[tilespmem:s16], [sflag:$0x2] =	stream.indirect_vreg.gather [hbm4b:s7+s3], $0x80, v3, vm0, $0xb8;
	[tilespmem:$0x1A100] =	vst v63  }
0x71: {  	v3 =	vld [tilespmem:$0x50];
	_ =	sdelay $0x4  }
0x72: {  	v37 =	vshll.u32 v3, $0x2  }
0x73: {  	v3 =	vand.u32 $0x7, v3;
	v4 =	vand.u32 $0xFFFFFFE0, v37  }
0x74: {  	v3 =	vor.u32 v3, v4  }
0x75: {  	v4 =	vperm.xlane v3, v0;
	_ =	sdelay $0x1  }
0x76: {  	v4 =	vadd.s32 v1, v4;
	_ =	sdelay $0x1  }
0x77: {  	v3 =	vperm.xlane v3, v2;
	_ =	sdelay $0x1  }
0x78: {  	s13 =	simm.s32 $0xC100;
	v3 =	vadd.s32 v1, v3  }
0x79: {  	[tilespmem:s13], [sflag:$0x2] =	stream.indirect_vreg.gather [hbm4b:s4+s3], $0x80, v4, vm0, $0xb8;
	[tilespmem:$0x1A100] =	vst v63  }
0x7a: {  	s16 =	simm.s32 $0xC900  }
0x7b: {  	[tilespmem:s16], [sflag:$0x2] =	stream.indirect_vreg.gather [hbm4b:s7+s3], $0x80, v4, vm0, $0xb8;
	[tilespmem:$0x1A100] =	vst v63  }
0x7c: {  	s13 =	simm.s32 $0xD100  }
0x7d: {  	[tilespmem:s13], [sflag:$0x2] =	stream.indirect_vreg.gather [hbm4b:s4+s3], $0x80, v3, vm0, $0xb8;
	[tilespmem:$0x1A100] =	vst v63  }
0x7e: {  	s16 =	simm.s32 $0xD900  }
0x7f: {  	[tilespmem:s16], [sflag:$0x2] =	stream.indirect_vreg.gather [hbm4b:s7+s3], $0x80, v3, vm0, $0xb8;
	[tilespmem:$0x1A100] =	vst v63  }
0x80: {  	v3 =	vld [tilespmem:$0x60];
	_ =	sdelay $0x4  }
0x81: {  	v38 =	vshll.u32 v3, $0x2  }
0x82: {  	v3 =	vand.u32 $0x7, v3;
	v4 =	vand.u32 $0xFFFFFFE0, v38  }
0x83: {  	v3 =	vor.u32 v3, v4  }
0x84: {  	v4 =	vperm.xlane v3, v0;
	_ =	sdelay $0x1  }
0x85: {  	v4 =	vadd.s32 v1, v4;
	_ =	sdelay $0x1  }
0x86: {  	v3 =	vperm.xlane v3, v2;
	_ =	sdelay $0x1  }
0x87: {  	s13 =	simm.s32 $0xE100;
	v3 =	vadd.s32 v1, v3  }
0x88: {  	[tilespmem:s13], [sflag:$0x2] =	stream.indirect_vreg.gather [hbm4b:s4+s3], $0x80, v4, vm0, $0xb8;
	[tilespmem:$0x1A100] =	vst v63  }
0x89: {  	s16 =	simm.s32 $0xE900  }
0x8a: {  	[tilespmem:s16], [sflag:$0x2] =	stream.indirect_vreg.gather [hbm4b:s7+s3], $0x80, v4, vm0, $0xb8;
	[tilespmem:$0x1A100] =	vst v63  }
0x8b: {  	s13 =	simm.s32 $0xF100  }
0x8c: {  	[tilespmem:s13], [sflag:$0x2] =	stream.indirect_vreg.gather [hbm4b:s4+s3], $0x80, v3, vm0, $0xb8;
	[tilespmem:$0x1A100] =	vst v63  }
0x8d: {  	s16 =	simm.s32 $0xF900  }
0x8e: {  	[tilespmem:s16], [sflag:$0x2] =	stream.indirect_vreg.gather [hbm4b:s7+s3], $0x80, v3, vm0, $0xb8;
	[tilespmem:$0x1A100] =	vst v63  }
0x8f: {  	v3 =	vld [tilespmem:$0x70];
	_ =	sdelay $0x4  }
0x90: {  	v39 =	vshll.u32 v3, $0x2  }
0x91: {  	v3 =	vand.u32 $0x7, v3;
	v4 =	vand.u32 $0xFFFFFFE0, v39  }
0x92: {  	v3 =	vor.u32 v3, v4  }
0x93: {  	v4 =	vperm.xlane v3, v0;
	_ =	sdelay $0x1  }
0x94: {  	v4 =	vadd.s32 v1, v4;
	_ =	sdelay $0x1  }
0x95: {  	v3 =	vperm.xlane v3, v2;
	_ =	sdelay $0x1  }
0x96: {  	s13 =	simm.s32 $0x10100;
	v3 =	vadd.s32 v1, v3  }
0x97: {  	[tilespmem:s13], [sflag:$0x2] =	stream.indirect_vreg.gather [hbm4b:s4+s3], $0x80, v4, vm0, $0xb8;
	[tilespmem:$0x1A100] =	vst v63  }
0x98: {  	s16 =	simm.s32 $0x10900  }
0x99: {  	[tilespmem:s16], [sflag:$0x2] =	stream.indirect_vreg.gather [hbm4b:s7+s3], $0x80, v4, vm0, $0xb8;
	[tilespmem:$0x1A100] =	vst v63  }
0x9a: {  	s13 =	simm.s32 $0x11100  }
0x9b: {  	[tilespmem:s13], [sflag:$0x2] =	stream.indirect_vreg.gather [hbm4b:s4+s3], $0x80, v3, vm0, $0xb8;
	[tilespmem:$0x1A100] =	vst v63  }
0x9c: {  	s16 =	simm.s32 $0x11900  }
0x9d: {  	[tilespmem:s16], [sflag:$0x2] =	stream.indirect_vreg.gather [hbm4b:s7+s3], $0x80, v3, vm0, $0xb8;
	[tilespmem:$0x1A100] =	vst v63  }
0x9e: {  	v3 =	vld [tilespmem:$0x80];
	_ =	sdelay $0x4  }
0x9f: {  	v40 =	vshll.u32 v3, $0x2  }
0xa0: {  	v3 =	vand.u32 $0x7, v3;
	v4 =	vand.u32 $0xFFFFFFE0, v40  }
0xa1: {  	v3 =	vor.u32 v3, v4  }
0xa2: {  	v4 =	vperm.xlane v3, v0;
	_ =	sdelay $0x1  }
0xa3: {  	v4 =	vadd.s32 v1, v4;
	_ =	sdelay $0x1  }
0xa4: {  	v3 =	vperm.xlane v3, v2;
	_ =	sdelay $0x1  }
0xa5: {  	s13 =	simm.s32 $0x12100;
	v3 =	vadd.s32 v1, v3  }
0xa6: {  	[tilespmem:s13], [sflag:$0x3] =	stream.indirect_vreg.gather [hbm4b:s5+s3], $0x80, v4, vm0, $0xb8;
	[tilespmem:$0x1A100] =	vst v63  }
0xa7: {  	s1 =	simm.s32 $0x12900  }
0xa8: {  	[tilespmem:s1], [sflag:$0x3] =	stream.indirect_vreg.gather [hbm4b:s8+s3], $0x80, v4, vm0, $0xb8;
	[tilespmem:$0x1A100] =	vst v63  }
0xa9: {  	s13 =	simm.s32 $0x13100  }
0xaa: {  	[tilespmem:s13], [sflag:$0x3] =	stream.indirect_vreg.gather [hbm4b:s5+s3], $0x80, v3, vm0, $0xb8;
	[tilespmem:$0x1A100] =	vst v63  }
0xab: {  	s16 =	simm.s32 $0x13900  }
0xac: {  	[tilespmem:s16], [sflag:$0x3] =	stream.indirect_vreg.gather [hbm4b:s8+s3], $0x80, v3, vm0, $0xb8;
	[tilespmem:$0x1A100] =	vst v63  }
0xad: {  	v3 =	vld [tilespmem:$0x90];
	_ =	sdelay $0x4  }
0xae: {  	v41 =	vshll.u32 v3, $0x2  }
0xaf: {  	v3 =	vand.u32 $0x7, v3;
	v4 =	vand.u32 $0xFFFFFFE0, v41  }
0xb0: {  	v3 =	vor.u32 v3, v4  }
0xb1: {  	v4 =	vperm.xlane v3, v0;
	_ =	sdelay $0x1  }
0xb2: {  	v4 =	vadd.s32 v1, v4;
	_ =	sdelay $0x1  }
0xb3: {  	v3 =	vperm.xlane v3, v2;
	_ =	sdelay $0x1  }
0xb4: {  	s13 =	simm.s32 $0x14100;
	v3 =	vadd.s32 v1, v3  }
0xb5: {  	[tilespmem:s13], [sflag:$0x3] =	stream.indirect_vreg.gather [hbm4b:s5+s3], $0x80, v4, vm0, $0xb8;
	[tilespmem:$0x1A100] =	vst v63  }
0xb6: {  	s16 =	simm.s32 $0x14900  }
0xb7: {  	[tilespmem:s16], [sflag:$0x3] =	stream.indirect_vreg.gather [hbm4b:s8+s3], $0x80, v4, vm0, $0xb8;
	[tilespmem:$0x1A100] =	vst v63  }
0xb8: {  	_ = 	snop  }
0xb9: {  	[tilespmem:s17], [sflag:$0x3] =	stream.indirect_vreg.gather [hbm4b:s5+s3], $0x80, v3, vm0, $0xb8;
	[tilespmem:$0x1A100] =	vst v63  }
0xba: {  	_ = 	snop  }
0xbb: {  	[tilespmem:s18], [sflag:$0x3] =	stream.indirect_vreg.gather [hbm4b:s8+s3], $0x80, v3, vm0, $0xb8;
	[tilespmem:$0x1A100] =	vst v63  }
0xbc: {  	v3 =	vld [tilespmem:$0xA0];
	_ =	sdelay $0x4  }
0xbd: {  	v42 =	vshll.u32 v3, $0x2  }
0xbe: {  	v3 =	vand.u32 $0x7, v3;
	v4 =	vand.u32 $0xFFFFFFE0, v42  }
0xbf: {  	v3 =	vor.u32 v3, v4  }
0xc0: {  	v4 =	vperm.xlane v3, v0;
	_ =	sdelay $0x1  }
0xc1: {  	v4 =	vadd.s32 v1, v4;
	_ =	sdelay $0x1  }
0xc2: {  	v3 =	vperm.xlane v3, v2;
	_ =	sdelay $0x1  }
0xc3: {  	v3 =	vadd.s32 v1, v3  }
0xc4: {  	[tilespmem:s19], [sflag:$0x3] =	stream.indirect_vreg.gather [hbm4b:s5+s3], $0x80, v4, vm0, $0xb8;
	[tilespmem:$0x1A100] =	vst v63  }
0xc5: {  	_ = 	snop  }
0xc6: {  	[tilespmem:s20], [sflag:$0x3] =	stream.indirect_vreg.gather [hbm4b:s8+s3], $0x80, v4, vm0, $0xb8;
	[tilespmem:$0x1A100] =	vst v63  }
0xc7: {  	_ = 	snop  }
0xc8: {  	[tilespmem:s21], [sflag:$0x3] =	stream.indirect_vreg.gather [hbm4b:s5+s3], $0x80, v3, vm0, $0xb8;
	[tilespmem:$0x1A100] =	vst v63  }
0xc9: {  	_ = 	snop  }
0xca: {  	[tilespmem:s22], [sflag:$0x3] =	stream.indirect_vreg.gather [hbm4b:s8+s3], $0x80, v3, vm0, $0xb8;
	[tilespmem:$0x1A100] =	vst v63  }
0xcb: {  	v3 =	vld [tilespmem:$0xB0];
	_ =	sdelay $0x4  }
0xcc: {  	v43 =	vshll.u32 v3, $0x2  }
0xcd: {  	v3 =	vand.u32 $0x7, v3;
	v4 =	vand.u32 $0xFFFFFFE0, v43  }
0xce: {  	v3 =	vor.u32 v3, v4  }
0xcf: {  	v4 =	vperm.xlane v3, v0;
	_ =	sdelay $0x1  }
0xd0: {  	v4 =	vadd.s32 v1, v4;
	_ =	sdelay $0x1  }
0xd1: {  	v3 =	vperm.xlane v3, v2;
	_ =	sdelay $0x1  }
0xd2: {  	v3 =	vadd.s32 v1, v3  }
0xd3: {  	[tilespmem:s23], [sflag:$0x3] =	stream.indirect_vreg.gather [hbm4b:s5+s3], $0x80, v4, vm0, $0xb8;
	[tilespmem:$0x1A100] =	vst v63  }
0xd4: {  	_ = 	snop  }
0xd5: {  	[tilespmem:s24], [sflag:$0x3] =	stream.indirect_vreg.gather [hbm4b:s8+s3], $0x80, v4, vm0, $0xb8;
	[tilespmem:$0x1A100] =	vst v63  }
0xd6: {  	_ = 	snop  }
0xd7: {  	[tilespmem:s25], [sflag:$0x3] =	stream.indirect_vreg.gather [hbm4b:s5+s3], $0x80, v3, vm0, $0xb8;
	[tilespmem:$0x1A100] =	vst v63  }
0xd8: {  	_ = 	snop  }
0xd9: {  	[tilespmem:s30], [sflag:$0x3] =	stream.indirect_vreg.gather [hbm4b:s8+s3], $0x80, v3, vm0, $0xb8;
	[tilespmem:$0x1A100] =	vst v63  }
0xda: {  	_ =	swait.ge [sflag:s14], $0x8000  }
0xdb: {  	[sflag:s14] =	ssyncset.done $0x0  }
0xdc: {  	s2 =	simm.s32 $0x2100;
	s16 =	rddreg [dreg:$0x7];
	[sflag:s14] =	ssyncadd.s32 $0xFFFF8000  }
0xdd: {  	[hbm4b:s16+s3] =	stream.linear.scatter [tilespmem:s2], [sflag:$0x4], $0x8000, $0x38;
	[tilespmem:$0x1A100] =	vst v63  }
0xde: {  	_ =	swait.ge [sflag:s28], $0x8000  }
0xdf: {  	[sflag:s28] =	ssyncset.done $0x0  }
0xe0: {  	[sflag:s28] =	ssyncadd.s32 $0xFFFF8000  }
0xe1: {  	v3 =	vld [tilespmem:$0xC0];
	_ =	sdelay $0x4  }
0xe2: {  	v44 =	vshll.u32 v3, $0x2  }
0xe3: {  	v3 =	vand.u32 $0x7, v3;
	v4 =	vand.u32 $0xFFFFFFE0, v44  }
0xe4: {  	v3 =	vor.u32 v3, v4  }
0xe5: {  	v4 =	vperm.xlane v3, v0;
	_ =	sdelay $0x1  }
0xe6: {  	v4 =	vadd.s32 v1, v4;
	_ =	sdelay $0x1  }
0xe7: {  	v3 =	vperm.xlane v3, v2;
	_ =	sdelay $0x1  }
0xe8: {  	v3 =	vadd.s32 v1, v3  }
0xe9: {  	[tilespmem:s2], [sflag:$0x1] =	stream.indirect_vreg.gather [hbm4b:s5+s3], $0x80, v4, vm0, $0xb8;
	[tilespmem:$0x1A100] =	vst v63  }
0xea: {  	s16 =	simm.s32 $0x2900  }
0xeb: {  	[tilespmem:s16], [sflag:$0x1] =	stream.indirect_vreg.gather [hbm4b:s8+s3], $0x80, v4, vm0, $0xb8;
	[tilespmem:$0x1A100] =	vst v63  }
0xec: {  	s16 =	simm.s32 $0x3100  }
0xed: {  	[tilespmem:s16], [sflag:$0x1] =	stream.indirect_vreg.gather [hbm4b:s5+s3], $0x80, v3, vm0, $0xb8;
	[tilespmem:$0x1A100] =	vst v63  }
0xee: {  	s12 =	simm.s32 $0x3900  }
0xef: {  	[tilespmem:s12], [sflag:$0x1] =	stream.indirect_vreg.gather [hbm4b:s8+s3], $0x80, v3, vm0, $0xb8;
	[tilespmem:$0x1A100] =	vst v63  }
0xf0: {  	v3 =	vld [tilespmem:$0xD0];
	_ =	sdelay $0x4  }
0xf1: {  	v45 =	vshll.u32 v3, $0x2  }
0xf2: {  	v3 =	vand.u32 $0x7, v3;
	v4 =	vand.u32 $0xFFFFFFE0, v45  }
0xf3: {  	v3 =	vor.u32 v3, v4  }
0xf4: {  	v4 =	vperm.xlane v3, v0;
	_ =	sdelay $0x1  }
0xf5: {  	v4 =	vadd.s32 v1, v4;
	_ =	sdelay $0x1  }
0xf6: {  	v3 =	vperm.xlane v3, v2;
	_ =	sdelay $0x1  }
0xf7: {  	s12 =	simm.s32 $0x4100;
	v3 =	vadd.s32 v1, v3  }
0xf8: {  	[tilespmem:s12], [sflag:$0x1] =	stream.indirect_vreg.gather [hbm4b:s5+s3], $0x80, v4, vm0, $0xb8;
	[tilespmem:$0x1A100] =	vst v63  }
0xf9: {  	s16 =	simm.s32 $0x4900  }
0xfa: {  	[tilespmem:s16], [sflag:$0x1] =	stream.indirect_vreg.gather [hbm4b:s8+s3], $0x80, v4, vm0, $0xb8;
	[tilespmem:$0x1A100] =	vst v63  }
0xfb: {  	s12 =	simm.s32 $0x5100  }
0xfc: {  	[tilespmem:s12], [sflag:$0x1] =	stream.indirect_vreg.gather [hbm4b:s5+s3], $0x80, v3, vm0, $0xb8;
	[tilespmem:$0x1A100] =	vst v63  }
0xfd: {  	s26 =	simm.s32 $0x5900  }
0xfe: {  	[tilespmem:s26], [sflag:$0x1] =	stream.indirect_vreg.gather [hbm4b:s8+s3], $0x80, v3, vm0, $0xb8;
	[tilespmem:$0x1A100] =	vst v63  }
0xff: {  	v3 =	vld [tilespmem:$0xE0];
	_ =	sdelay $0x4  }
0x100: {  	v46 =	vshll.u32 v3, $0x2  }
0x101: {  	v3 =	vand.u32 $0x7, v3;
	v4 =	vand.u32 $0xFFFFFFE0, v46  }
0x102: {  	v3 =	vor.u32 v3, v4  }
0x103: {  	v4 =	vperm.xlane v3, v0;
	_ =	sdelay $0x1  }
0x104: {  	v4 =	vadd.s32 v1, v4;
	_ =	sdelay $0x1  }
0x105: {  	v3 =	vperm.xlane v3, v2;
	_ =	sdelay $0x1  }
0x106: {  	s16 =	simm.s32 $0x6100;
	v3 =	vadd.s32 v1, v3  }
0x107: {  	[tilespmem:s16], [sflag:$0x1] =	stream.indirect_vreg.gather [hbm4b:s5+s3], $0x80, v4, vm0, $0xb8;
	[tilespmem:$0x1A100] =	vst v63  }
0x108: {  	s26 =	simm.s32 $0x6900  }
0x109: {  	[tilespmem:s26], [sflag:$0x1] =	stream.indirect_vreg.gather [hbm4b:s8+s3], $0x80, v4, vm0, $0xb8;
	[tilespmem:$0x1A100] =	vst v63  }
0x10a: {  	s12 =	simm.s32 $0x7100  }
0x10b: {  	[tilespmem:s12], [sflag:$0x1] =	stream.indirect_vreg.gather [hbm4b:s5+s3], $0x80, v3, vm0, $0xb8;
	[tilespmem:$0x1A100] =	vst v63  }
0x10c: {  	s16 =	simm.s32 $0x7900  }
0x10d: {  	[tilespmem:s16], [sflag:$0x1] =	stream.indirect_vreg.gather [hbm4b:s8+s3], $0x80, v3, vm0, $0xb8;
	[tilespmem:$0x1A100] =	vst v63  }
0x10e: {  	v3 =	vld [tilespmem:$0xF0];
	_ =	sdelay $0x4  }
0x10f: {  	v47 =	vshll.u32 v3, $0x2  }
0x110: {  	v3 =	vand.u32 $0x7, v3;
	v4 =	vand.u32 $0xFFFFFFE0, v47  }
0x111: {  	v3 =	vor.u32 v3, v4  }
0x112: {  	v4 =	vperm.xlane v3, v0;
	_ =	sdelay $0x1  }
0x113: {  	v4 =	vadd.s32 v1, v4;
	_ =	sdelay $0x1  }
0x114: {  	v3 =	vperm.xlane v3, v2;
	_ =	sdelay $0x1  }
0x115: {  	s26 =	simm.s32 $0x8100;
	v3 =	vadd.s32 v1, v3  }
0x116: {  	[tilespmem:s26], [sflag:$0x1] =	stream.indirect_vreg.gather [hbm4b:s5+s3], $0x80, v4, vm0, $0xb8;
	[tilespmem:$0x1A100] =	vst v63  }
0x117: {  	s12 =	simm.s32 $0x8900  }
0x118: {  	[tilespmem:s12], [sflag:$0x1] =	stream.indirect_vreg.gather [hbm4b:s8+s3], $0x80, v4, vm0, $0xb8;
	[tilespmem:$0x1A100] =	vst v63  }
0x119: {  	s16 =	simm.s32 $0x9100  }
0x11a: {  	[tilespmem:s16], [sflag:$0x1] =	stream.indirect_vreg.gather [hbm4b:s5+s3], $0x80, v3, vm0, $0xb8;
	[tilespmem:$0x1A100] =	vst v63  }
0x11b: {  	s26 =	simm.s32 $0x9900  }
0x11c: {  	[tilespmem:s26], [sflag:$0x1] =	stream.indirect_vreg.gather [hbm4b:s8+s3], $0x80, v3, vm0, $0xb8;
	[tilespmem:$0x1A100] =	vst v63  }
0x11d: {  	_ =	swait.ge [sflag:s29], $0x8000  }
0x11e: {  	[sflag:s29] =	ssyncset.done $0x0  }
0x11f: {  	s2 =	rddreg [dreg:$0x8];
	[sflag:s29] =	ssyncadd.s32 $0xFFFF8000  }
0x120: {  	[hbm4b:s2+s3] =	stream.linear.scatter [tilespmem:s0], [sflag:$0x5], $0x8000, $0x38;
	[tilespmem:$0x1A100] =	vst v63  }
0x121: {  	_ =	swait.ge [sflag:s31], $0x8000  }
0x122: {  	[sflag:s31] =	ssyncset.done $0x0  }
0x123: {  	[sflag:s31] =	ssyncadd.s32 $0xFFFF8000  }
0x124: {  	v3 =	vld [tilespmem:$0x0];
	_ =	sdelay $0x4  }
0x125: {  	v48 =	vshll.u32 v3, $0x2  }
0x126: {  	v3 =	vand.u32 $0x7, v3;
	v4 =	vand.u32 $0xFFFFFFE0, v48  }
0x127: {  	v3 =	vor.u32 v3, v4  }
0x128: {  	v4 =	vperm.xlane v3, v0;
	_ =	sdelay $0x1  }
0x129: {  	v4 =	vadd.s32 v1, v4;
	_ =	sdelay $0x1  }
0x12a: {  	v3 =	vperm.xlane v3, v2;
	_ =	sdelay $0x1  }
0x12b: {  	v3 =	vadd.s32 v1, v3  }
0x12c: {  	[tilespmem:s0], [sflag:$0x2] =	stream.indirect_vreg.gather [hbm4b:s6+s3], $0x80, v4, vm0, $0xb8;
	[tilespmem:$0x1A100] =	vst v63  }
0x12d: {  	s12 =	simm.s32 $0xA900  }
0x12e: {  	[tilespmem:s12], [sflag:$0x2] =	stream.indirect_vreg.gather [hbm4b:s9+s3], $0x80, v4, vm0, $0xb8;
	[tilespmem:$0x1A100] =	vst v63  }
0x12f: {  	s16 =	simm.s32 $0xB100  }
0x130: {  	[tilespmem:s16], [sflag:$0x2] =	stream.indirect_vreg.gather [hbm4b:s6+s3], $0x80, v3, vm0, $0xb8;
	[tilespmem:$0x1A100] =	vst v63  }
0x131: {  	s26 =	simm.s32 $0xB900  }
0x132: {  	[tilespmem:s26], [sflag:$0x2] =	stream.indirect_vreg.gather [hbm4b:s9+s3], $0x80, v3, vm0, $0xb8;
	[tilespmem:$0x1A100] =	vst v63  }
0x133: {  	v3 =	vld [tilespmem:$0x10];
	_ =	sdelay $0x4  }
0x134: {  	v49 =	vshll.u32 v3, $0x2  }
0x135: {  	v3 =	vand.u32 $0x7, v3;
	v4 =	vand.u32 $0xFFFFFFE0, v49  }
0x136: {  	v3 =	vor.u32 v3, v4  }
0x137: {  	v4 =	vperm.xlane v3, v0;
	_ =	sdelay $0x1  }
0x138: {  	v4 =	vadd.s32 v1, v4;
	_ =	sdelay $0x1  }
0x139: {  	v3 =	vperm.xlane v3, v2;
	_ =	sdelay $0x1  }
0x13a: {  	s12 =	simm.s32 $0xC100;
	v3 =	vadd.s32 v1, v3  }
0x13b: {  	[tilespmem:s12], [sflag:$0x2] =	stream.indirect_vreg.gather [hbm4b:s6+s3], $0x80, v4, vm0, $0xb8;
	[tilespmem:$0x1A100] =	vst v63  }
0x13c: {  	s16 =	simm.s32 $0xC900  }
0x13d: {  	[tilespmem:s16], [sflag:$0x2] =	stream.indirect_vreg.gather [hbm4b:s9+s3], $0x80, v4, vm0, $0xb8;
	[tilespmem:$0x1A100] =	vst v63  }
0x13e: {  	s26 =	simm.s32 $0xD100  }
0x13f: {  	[tilespmem:s26], [sflag:$0x2] =	stream.indirect_vreg.gather [hbm4b:s6+s3], $0x80, v3, vm0, $0xb8;
	[tilespmem:$0x1A100] =	vst v63  }
0x140: {  	s12 =	simm.s32 $0xD900  }
0x141: {  	[tilespmem:s12], [sflag:$0x2] =	stream.indirect_vreg.gather [hbm4b:s9+s3], $0x80, v3, vm0, $0xb8;
	[tilespmem:$0x1A100] =	vst v63  }
0x142: {  	v3 =	vld [tilespmem:$0x20];
	_ =	sdelay $0x4  }
0x143: {  	v50 =	vshll.u32 v3, $0x2  }
0x144: {  	v3 =	vand.u32 $0x7, v3;
	v4 =	vand.u32 $0xFFFFFFE0, v50  }
0x145: {  	v3 =	vor.u32 v3, v4  }
0x146: {  	v4 =	vperm.xlane v3, v0;
	_ =	sdelay $0x1  }
0x147: {  	v4 =	vadd.s32 v1, v4;
	_ =	sdelay $0x1  }
0x148: {  	v3 =	vperm.xlane v3, v2;
	_ =	sdelay $0x1  }
0x149: {  	s16 =	simm.s32 $0xE100;
	v3 =	vadd.s32 v1, v3  }
0x14a: {  	[tilespmem:s16], [sflag:$0x2] =	stream.indirect_vreg.gather [hbm4b:s6+s3], $0x80, v4, vm0, $0xb8;
	[tilespmem:$0x1A100] =	vst v63  }
0x14b: {  	s26 =	simm.s32 $0xE900  }
0x14c: {  	[tilespmem:s26], [sflag:$0x2] =	stream.indirect_vreg.gather [hbm4b:s9+s3], $0x80, v4, vm0, $0xb8;
	[tilespmem:$0x1A100] =	vst v63  }
0x14d: {  	s12 =	simm.s32 $0xF100  }
0x14e: {  	[tilespmem:s12], [sflag:$0x2] =	stream.indirect_vreg.gather [hbm4b:s6+s3], $0x80, v3, vm0, $0xb8;
	[tilespmem:$0x1A100] =	vst v63  }
0x14f: {  	s16 =	simm.s32 $0xF900  }
0x150: {  	[tilespmem:s16], [sflag:$0x2] =	stream.indirect_vreg.gather [hbm4b:s9+s3], $0x80, v3, vm0, $0xb8;
	[tilespmem:$0x1A100] =	vst v63  }
0x151: {  	v3 =	vld [tilespmem:$0x30];
	_ =	sdelay $0x4  }
0x152: {  	v51 =	vshll.u32 v3, $0x2  }
0x153: {  	v3 =	vand.u32 $0x7, v3;
	v4 =	vand.u32 $0xFFFFFFE0, v51  }
0x154: {  	v3 =	vor.u32 v3, v4  }
0x155: {  	v4 =	vperm.xlane v3, v0;
	_ =	sdelay $0x1  }
0x156: {  	v4 =	vadd.s32 v1, v4;
	_ =	sdelay $0x1  }
0x157: {  	v3 =	vperm.xlane v3, v2;
	_ =	sdelay $0x1  }
0x158: {  	s26 =	simm.s32 $0x10100;
	v3 =	vadd.s32 v1, v3  }
0x159: {  	[tilespmem:s26], [sflag:$0x2] =	stream.indirect_vreg.gather [hbm4b:s6+s3], $0x80, v4, vm0, $0xb8;
	[tilespmem:$0x1A100] =	vst v63  }
0x15a: {  	s12 =	simm.s32 $0x10900  }
0x15b: {  	[tilespmem:s12], [sflag:$0x2] =	stream.indirect_vreg.gather [hbm4b:s9+s3], $0x80, v4, vm0, $0xb8;
	[tilespmem:$0x1A100] =	vst v63  }
0x15c: {  	s16 =	simm.s32 $0x11100  }
0x15d: {  	[tilespmem:s16], [sflag:$0x2] =	stream.indirect_vreg.gather [hbm4b:s6+s3], $0x80, v3, vm0, $0xb8;
	[tilespmem:$0x1A100] =	vst v63  }
0x15e: {  	s26 =	simm.s32 $0x11900  }
0x15f: {  	[tilespmem:s26], [sflag:$0x2] =	stream.indirect_vreg.gather [hbm4b:s9+s3], $0x80, v3, vm0, $0xb8;
	[tilespmem:$0x1A100] =	vst v63  }
0x160: {  	s26 =	simm.s32 $0x3  }
0x161: {  	_ =	swait.ge [sflag:s26], $0x8000  }
0x162: {  	[sflag:s26] =	ssyncset.done $0x0  }
0x163: {  	s12 =	simm.s32 $0x12100;
	s2 =	rddreg [dreg:$0x9];
	[sflag:s26] =	ssyncadd.s32 $0xFFFF8000  }
0x164: {  	[hbm4b:s2+s3] =	stream.linear.scatter [tilespmem:s12], [sflag:$0x6], $0x8000, $0x38;
	[tilespmem:$0x1A100] =	vst v63  }
0x165: {  	s2 =	simm.s32 $0x6  }
0x166: {  	_ =	swait.ge [sflag:s2], $0x8000  }
0x167: {  	[sflag:s2] =	ssyncset.done $0x0  }
0x168: {  	[sflag:s2] =	ssyncadd.s32 $0xFFFF8000  }
0x169: {  	v3 =	vld [tilespmem:$0x40];
	_ =	sdelay $0x4  }
0x16a: {  	v52 =	vshll.u32 v3, $0x2  }
0x16b: {  	v3 =	vand.u32 $0x7, v3;
	v4 =	vand.u32 $0xFFFFFFE0, v52  }
0x16c: {  	v3 =	vor.u32 v3, v4  }
0x16d: {  	v4 =	vperm.xlane v3, v0;
	_ =	sdelay $0x1  }
0x16e: {  	v4 =	vadd.s32 v1, v4;
	_ =	sdelay $0x1  }
0x16f: {  	v3 =	vperm.xlane v3, v2;
	_ =	sdelay $0x1  }
0x170: {  	v3 =	vadd.s32 v1, v3  }
0x171: {  	[tilespmem:s12], [sflag:$0x3] =	stream.indirect_vreg.gather [hbm4b:s6+s3], $0x80, v4, vm0, $0xb8;
	[tilespmem:$0x1A100] =	vst v63  }
0x172: {  	_ = 	snop  }
0x173: {  	[tilespmem:s1], [sflag:$0x3] =	stream.indirect_vreg.gather [hbm4b:s9+s3], $0x80, v4, vm0, $0xb8;
	[tilespmem:$0x1A100] =	vst v63  }
0x174: {  	s16 =	simm.s32 $0x13100  }
0x175: {  	[tilespmem:s16], [sflag:$0x3] =	stream.indirect_vreg.gather [hbm4b:s6+s3], $0x80, v3, vm0, $0xb8;
	[tilespmem:$0x1A100] =	vst v63  }
0x176: {  	s12 =	simm.s32 $0x13900  }
0x177: {  	[tilespmem:s12], [sflag:$0x3] =	stream.indirect_vreg.gather [hbm4b:s9+s3], $0x80, v3, vm0, $0xb8;
	[tilespmem:$0x1A100] =	vst v63  }
0x178: {  	v3 =	vld [tilespmem:$0x50];
	_ =	sdelay $0x4  }
0x179: {  	v53 =	vshll.u32 v3, $0x2  }
0x17a: {  	v3 =	vand.u32 $0x7, v3;
	v4 =	vand.u32 $0xFFFFFFE0, v53  }
0x17b: {  	v3 =	vor.u32 v3, v4  }
0x17c: {  	v4 =	vperm.xlane v3, v0;
	_ =	sdelay $0x1  }
0x17d: {  	v4 =	vadd.s32 v1, v4;
	_ =	sdelay $0x1  }
0x17e: {  	v3 =	vperm.xlane v3, v2;
	_ =	sdelay $0x1  }
0x17f: {  	v3 =	vadd.s32 v1, v3  }
0x180: {  	[tilespmem:s13], [sflag:$0x3] =	stream.indirect_vreg.gather [hbm4b:s6+s3], $0x80, v4, vm0, $0xb8;
	[tilespmem:$0x1A100] =	vst v63  }
0x181: {  	s16 =	simm.s32 $0x14900  }
0x182: {  	[tilespmem:s16], [sflag:$0x3] =	stream.indirect_vreg.gather [hbm4b:s9+s3], $0x80, v4, vm0, $0xb8;
	[tilespmem:$0x1A100] =	vst v63  }
0x183: {  	_ = 	snop  }
0x184: {  	[tilespmem:s17], [sflag:$0x3] =	stream.indirect_vreg.gather [hbm4b:s6+s3], $0x80, v3, vm0, $0xb8;
	[tilespmem:$0x1A100] =	vst v63  }
0x185: {  	_ = 	snop  }
0x186: {  	[tilespmem:s18], [sflag:$0x3] =	stream.indirect_vreg.gather [hbm4b:s9+s3], $0x80, v3, vm0, $0xb8;
	[tilespmem:$0x1A100] =	vst v63  }
0x187: {  	v3 =	vld [tilespmem:$0x60];
	_ =	sdelay $0x4  }
0x188: {  	v54 =	vshll.u32 v3, $0x2  }
0x189: {  	v3 =	vand.u32 $0x7, v3;
	v4 =	vand.u32 $0xFFFFFFE0, v54  }
0x18a: {  	v3 =	vor.u32 v3, v4  }
0x18b: {  	v4 =	vperm.xlane v3, v0;
	_ =	sdelay $0x1  }
0x18c: {  	v4 =	vadd.s32 v1, v4;
	_ =	sdelay $0x1  }
0x18d: {  	v3 =	vperm.xlane v3, v2;
	_ =	sdelay $0x1  }
0x18e: {  	v3 =	vadd.s32 v1, v3  }
0x18f: {  	[tilespmem:s19], [sflag:$0x3] =	stream.indirect_vreg.gather [hbm4b:s6+s3], $0x80, v4, vm0, $0xb8;
	[tilespmem:$0x1A100] =	vst v63  }
0x190: {  	_ = 	snop  }
0x191: {  	[tilespmem:s20], [sflag:$0x3] =	stream.indirect_vreg.gather [hbm4b:s9+s3], $0x80, v4, vm0, $0xb8;
	[tilespmem:$0x1A100] =	vst v63  }
0x192: {  	_ = 	snop  }
0x193: {  	[tilespmem:s21], [sflag:$0x3] =	stream.indirect_vreg.gather [hbm4b:s6+s3], $0x80, v3, vm0, $0xb8;
	[tilespmem:$0x1A100] =	vst v63  }
0x194: {  	_ = 	snop  }
0x195: {  	[tilespmem:s22], [sflag:$0x3] =	stream.indirect_vreg.gather [hbm4b:s9+s3], $0x80, v3, vm0, $0xb8;
	[tilespmem:$0x1A100] =	vst v63  }
0x196: {  	v3 =	vld [tilespmem:$0x70];
	_ =	sdelay $0x4  }
0x197: {  	v55 =	vshll.u32 v3, $0x2  }
0x198: {  	v3 =	vand.u32 $0x7, v3;
	v4 =	vand.u32 $0xFFFFFFE0, v55  }
0x199: {  	v3 =	vor.u32 v3, v4  }
0x19a: {  	v4 =	vperm.xlane v3, v0;
	_ =	sdelay $0x1  }
0x19b: {  	v4 =	vadd.s32 v1, v4;
	_ =	sdelay $0x1  }
0x19c: {  	v3 =	vperm.xlane v3, v2;
	_ =	sdelay $0x1  }
0x19d: {  	v3 =	vadd.s32 v1, v3  }
0x19e: {  	[tilespmem:s23], [sflag:$0x3] =	stream.indirect_vreg.gather [hbm4b:s6+s3], $0x80, v4, vm0, $0xb8;
	[tilespmem:$0x1A100] =	vst v63  }
0x19f: {  	_ = 	snop  }
0x1a0: {  	[tilespmem:s24], [sflag:$0x3] =	stream.indirect_vreg.gather [hbm4b:s9+s3], $0x80, v4, vm0, $0xb8;
	[tilespmem:$0x1A100] =	vst v63  }
0x1a1: {  	_ = 	snop  }
0x1a2: {  	[tilespmem:s25], [sflag:$0x3] =	stream.indirect_vreg.gather [hbm4b:s6+s3], $0x80, v3, vm0, $0xb8;
	[tilespmem:$0x1A100] =	vst v63  }
0x1a3: {  	_ = 	snop  }
0x1a4: {  	[tilespmem:s30], [sflag:$0x3] =	stream.indirect_vreg.gather [hbm4b:s9+s3], $0x80, v3, vm0, $0xb8;
	[tilespmem:$0x1A100] =	vst v63  }
0x1a5: {  	_ =	swait.ge [sflag:s14], $0x8000  }
0x1a6: {  	[sflag:s14] =	ssyncset.done $0x0  }
0x1a7: {  	s13 =	simm.s32 $0x2100;
	s12 =	rddreg [dreg:$0xa];
	[sflag:s14] =	ssyncadd.s32 $0xFFFF8000  }
0x1a8: {  	[hbm4b:s12+s3] =	stream.linear.scatter [tilespmem:s13], [sflag:$0x4], $0x8000, $0x38;
	[tilespmem:$0x1A100] =	vst v63  }
0x1a9: {  	_ =	swait.ge [sflag:s28], $0x8000  }
0x1aa: {  	[sflag:s28] =	ssyncset.done $0x0  }
0x1ab: {  	[sflag:s28] =	ssyncadd.s32 $0xFFFF8000  }
0x1ac: {  	v3 =	vld [tilespmem:$0x80];
	_ =	sdelay $0x4  }
0x1ad: {  	v56 =	vshll.u32 v3, $0x2  }
0x1ae: {  	v3 =	vand.u32 $0x7, v3;
	v4 =	vand.u32 $0xFFFFFFE0, v56  }
0x1af: {  	v3 =	vor.u32 v3, v4  }
0x1b0: {  	v4 =	vperm.xlane v3, v0;
	_ =	sdelay $0x1  }
0x1b1: {  	v4 =	vadd.s32 v1, v4;
	_ =	sdelay $0x1  }
0x1b2: {  	v3 =	vperm.xlane v3, v2;
	_ =	sdelay $0x1  }
0x1b3: {  	v3 =	vadd.s32 v1, v3  }
0x1b4: {  	[tilespmem:s13], [sflag:$0x1] =	stream.indirect_vreg.gather [hbm4b:s6+s3], $0x80, v4, vm0, $0xb8;
	[tilespmem:$0x1A100] =	vst v63  }
0x1b5: {  	s16 =	simm.s32 $0x2900  }
0x1b6: {  	[tilespmem:s16], [sflag:$0x1] =	stream.indirect_vreg.gather [hbm4b:s9+s3], $0x80, v4, vm0, $0xb8;
	[tilespmem:$0x1A100] =	vst v63  }
0x1b7: {  	s13 =	simm.s32 $0x3100  }
0x1b8: {  	[tilespmem:s13], [sflag:$0x1] =	stream.indirect_vreg.gather [hbm4b:s6+s3], $0x80, v3, vm0, $0xb8;
	[tilespmem:$0x1A100] =	vst v63  }
0x1b9: {  	s16 =	simm.s32 $0x3900  }
0x1ba: {  	[tilespmem:s16], [sflag:$0x1] =	stream.indirect_vreg.gather [hbm4b:s9+s3], $0x80, v3, vm0, $0xb8;
	[tilespmem:$0x1A100] =	vst v63  }
0x1bb: {  	v3 =	vld [tilespmem:$0x90];
	_ =	sdelay $0x4  }
0x1bc: {  	v57 =	vshll.u32 v3, $0x2  }
0x1bd: {  	v3 =	vand.u32 $0x7, v3;
	v4 =	vand.u32 $0xFFFFFFE0, v57  }
0x1be: {  	v3 =	vor.u32 v3, v4  }
0x1bf: {  	v4 =	vperm.xlane v3, v0;
	_ =	sdelay $0x1  }
0x1c0: {  	v4 =	vadd.s32 v1, v4;
	_ =	sdelay $0x1  }
0x1c1: {  	v3 =	vperm.xlane v3, v2;
	_ =	sdelay $0x1  }
0x1c2: {  	s13 =	simm.s32 $0x4100;
	v3 =	vadd.s32 v1, v3  }
0x1c3: {  	[tilespmem:s13], [sflag:$0x1] =	stream.indirect_vreg.gather [hbm4b:s6+s3], $0x80, v4, vm0, $0xb8;
	[tilespmem:$0x1A100] =	vst v63  }
0x1c4: {  	s16 =	simm.s32 $0x4900  }
0x1c5: {  	[tilespmem:s16], [sflag:$0x1] =	stream.indirect_vreg.gather [hbm4b:s9+s3], $0x80, v4, vm0, $0xb8;
	[tilespmem:$0x1A100] =	vst v63  }
0x1c6: {  	s13 =	simm.s32 $0x5100  }
0x1c7: {  	[tilespmem:s13], [sflag:$0x1] =	stream.indirect_vreg.gather [hbm4b:s6+s3], $0x80, v3, vm0, $0xb8;
	[tilespmem:$0x1A100] =	vst v63  }
0x1c8: {  	s16 =	simm.s32 $0x5900  }
0x1c9: {  	[tilespmem:s16], [sflag:$0x1] =	stream.indirect_vreg.gather [hbm4b:s9+s3], $0x80, v3, vm0, $0xb8;
	[tilespmem:$0x1A100] =	vst v63  }
0x1ca: {  	v3 =	vld [tilespmem:$0xA0];
	_ =	sdelay $0x4  }
0x1cb: {  	v58 =	vshll.u32 v3, $0x2  }
0x1cc: {  	v3 =	vand.u32 $0x7, v3;
	v4 =	vand.u32 $0xFFFFFFE0, v58  }
0x1cd: {  	v3 =	vor.u32 v3, v4  }
0x1ce: {  	v4 =	vperm.xlane v3, v0;
	_ =	sdelay $0x1  }
0x1cf: {  	v4 =	vadd.s32 v1, v4;
	_ =	sdelay $0x1  }
0x1d0: {  	v3 =	vperm.xlane v3, v2;
	_ =	sdelay $0x1  }
0x1d1: {  	s13 =	simm.s32 $0x6100;
	v3 =	vadd.s32 v1, v3  }
0x1d2: {  	[tilespmem:s13], [sflag:$0x1] =	stream.indirect_vreg.gather [hbm4b:s6+s3], $0x80, v4, vm0, $0xb8;
	[tilespmem:$0x1A100] =	vst v63  }
0x1d3: {  	s16 =	simm.s32 $0x6900  }
0x1d4: {  	[tilespmem:s16], [sflag:$0x1] =	stream.indirect_vreg.gather [hbm4b:s9+s3], $0x80, v4, vm0, $0xb8;
	[tilespmem:$0x1A100] =	vst v63  }
0x1d5: {  	s13 =	simm.s32 $0x7100  }
0x1d6: {  	[tilespmem:s13], [sflag:$0x1] =	stream.indirect_vreg.gather [hbm4b:s6+s3], $0x80, v3, vm0, $0xb8;
	[tilespmem:$0x1A100] =	vst v63  }
0x1d7: {  	s16 =	simm.s32 $0x7900  }
0x1d8: {  	[tilespmem:s16], [sflag:$0x1] =	stream.indirect_vreg.gather [hbm4b:s9+s3], $0x80, v3, vm0, $0xb8;
	[tilespmem:$0x1A100] =	vst v63  }
0x1d9: {  	v3 =	vld [tilespmem:$0xB0];
	_ =	sdelay $0x4  }
0x1da: {  	v59 =	vshll.u32 v3, $0x2  }
0x1db: {  	v3 =	vand.u32 $0x7, v3;
	v4 =	vand.u32 $0xFFFFFFE0, v59  }
0x1dc: {  	v3 =	vor.u32 v3, v4  }
0x1dd: {  	v4 =	vperm.xlane v3, v0;
	_ =	sdelay $0x1  }
0x1de: {  	v4 =	vadd.s32 v1, v4;
	_ =	sdelay $0x1  }
0x1df: {  	v3 =	vperm.xlane v3, v2;
	_ =	sdelay $0x1  }
0x1e0: {  	s13 =	simm.s32 $0x8100;
	v3 =	vadd.s32 v1, v3  }
0x1e1: {  	[tilespmem:s13], [sflag:$0x1] =	stream.indirect_vreg.gather [hbm4b:s6+s3], $0x80, v4, vm0, $0xb8;
	[tilespmem:$0x1A100] =	vst v63  }
0x1e2: {  	s16 =	simm.s32 $0x8900  }
0x1e3: {  	[tilespmem:s16], [sflag:$0x1] =	stream.indirect_vreg.gather [hbm4b:s9+s3], $0x80, v4, vm0, $0xb8;
	[tilespmem:$0x1A100] =	vst v63  }
0x1e4: {  	s13 =	simm.s32 $0x9100  }
0x1e5: {  	[tilespmem:s13], [sflag:$0x1] =	stream.indirect_vreg.gather [hbm4b:s6+s3], $0x80, v3, vm0, $0xb8;
	[tilespmem:$0x1A100] =	vst v63  }
0x1e6: {  	s16 =	simm.s32 $0x9900  }
0x1e7: {  	[tilespmem:s16], [sflag:$0x1] =	stream.indirect_vreg.gather [hbm4b:s9+s3], $0x80, v3, vm0, $0xb8;
	[tilespmem:$0x1A100] =	vst v63  }
0x1e8: {  	_ =	swait.ge [sflag:s29], $0x8000  }
0x1e9: {  	[sflag:s29] =	ssyncset.done $0x0  }
0x1ea: {  	s13 =	rddreg [dreg:$0xb];
	[sflag:s29] =	ssyncadd.s32 $0xFFFF8000  }
0x1eb: {  	[hbm4b:s13+s3] =	stream.linear.scatter [tilespmem:s0], [sflag:$0x5], $0x8000, $0x38;
	[tilespmem:$0x1A100] =	vst v63  }
0x1ec: {  	_ =	swait.ge [sflag:s31], $0x8000  }
0x1ed: {  	[sflag:s31] =	ssyncset.done $0x0  }
0x1ee: {  	[sflag:s31] =	ssyncadd.s32 $0xFFFF8000  }
0x1ef: {  	v3 =	vld [tilespmem:$0xC0];
	_ =	sdelay $0x4  }
0x1f0: {  	v60 =	vshll.u32 v3, $0x2  }
0x1f1: {  	v3 =	vand.u32 $0x7, v3;
	v4 =	vand.u32 $0xFFFFFFE0, v60  }
0x1f2: {  	v3 =	vor.u32 v3, v4  }
0x1f3: {  	v4 =	vperm.xlane v3, v0;
	_ =	sdelay $0x1  }
0x1f4: {  	v4 =	vadd.s32 v1, v4;
	_ =	sdelay $0x1  }
0x1f5: {  	v3 =	vperm.xlane v3, v2;
	_ =	sdelay $0x1  }
0x1f6: {  	v3 =	vadd.s32 v1, v3  }
0x1f7: {  	[tilespmem:s0], [sflag:$0x2] =	stream.indirect_vreg.gather [hbm4b:s6+s3], $0x80, v4, vm0, $0xb8;
	[tilespmem:$0x1A100] =	vst v63  }
0x1f8: {  	s16 =	simm.s32 $0xA900  }
0x1f9: {  	[tilespmem:s16], [sflag:$0x2] =	stream.indirect_vreg.gather [hbm4b:s9+s3], $0x80, v4, vm0, $0xb8;
	[tilespmem:$0x1A100] =	vst v63  }
0x1fa: {  	s13 =	simm.s32 $0xB100  }
0x1fb: {  	[tilespmem:s13], [sflag:$0x2] =	stream.indirect_vreg.gather [hbm4b:s6+s3], $0x80, v3, vm0, $0xb8;
	[tilespmem:$0x1A100] =	vst v63  }
0x1fc: {  	s16 =	simm.s32 $0xB900  }
0x1fd: {  	[tilespmem:s16], [sflag:$0x2] =	stream.indirect_vreg.gather [hbm4b:s9+s3], $0x80, v3, vm0, $0xb8;
	[tilespmem:$0x1A100] =	vst v63  }
0x1fe: {  	v3 =	vld [tilespmem:$0xD0];
	_ =	sdelay $0x4  }
0x1ff: {  	v61 =	vshll.u32 v3, $0x2  }
0x200: {  	v3 =	vand.u32 $0x7, v3;
	v4 =	vand.u32 $0xFFFFFFE0, v61  }
0x201: {  	v3 =	vor.u32 v3, v4  }
0x202: {  	v4 =	vperm.xlane v3, v0;
	_ =	sdelay $0x1  }
0x203: {  	v4 =	vadd.s32 v1, v4;
	_ =	sdelay $0x1  }
0x204: {  	v3 =	vperm.xlane v3, v2;
	_ =	sdelay $0x1  }
0x205: {  	s13 =	simm.s32 $0xC100;
	v3 =	vadd.s32 v1, v3  }
0x206: {  	[tilespmem:s13], [sflag:$0x2] =	stream.indirect_vreg.gather [hbm4b:s6+s3], $0x80, v4, vm0, $0xb8;
	[tilespmem:$0x1A100] =	vst v63  }
0x207: {  	s16 =	simm.s32 $0xC900  }
0x208: {  	[tilespmem:s16], [sflag:$0x2] =	stream.indirect_vreg.gather [hbm4b:s9+s3], $0x80, v4, vm0, $0xb8;
	[tilespmem:$0x1A100] =	vst v63  }
0x209: {  	s13 =	simm.s32 $0xD100  }
0x20a: {  	[tilespmem:s13], [sflag:$0x2] =	stream.indirect_vreg.gather [hbm4b:s6+s3], $0x80, v3, vm0, $0xb8;
	[tilespmem:$0x1A100] =	vst v63  }
0x20b: {  	s16 =	simm.s32 $0xD900  }
0x20c: {  	[tilespmem:s16], [sflag:$0x2] =	stream.indirect_vreg.gather [hbm4b:s9+s3], $0x80, v3, vm0, $0xb8;
	[tilespmem:$0x1A100] =	vst v63  }
0x20d: {  	v3 =	vld [tilespmem:$0xE0];
	_ =	sdelay $0x4  }
0x20e: {  	v62 =	vshll.u32 v3, $0x2  }
0x20f: {  	v3 =	vand.u32 $0x7, v3;
	v4 =	vand.u32 $0xFFFFFFE0, v62  }
0x210: {  	v3 =	vor.u32 v3, v4  }
0x211: {  	v4 =	vperm.xlane v3, v0;
	_ =	sdelay $0x1  }
0x212: {  	v4 =	vadd.s32 v1, v4;
	_ =	sdelay $0x1  }
0x213: {  	v3 =	vperm.xlane v3, v2;
	_ =	sdelay $0x1  }
0x214: {  	s13 =	simm.s32 $0xE100;
	v3 =	vadd.s32 v1, v3  }
0x215: {  	[tilespmem:s13], [sflag:$0x2] =	stream.indirect_vreg.gather [hbm4b:s6+s3], $0x80, v4, vm0, $0xb8;
	[tilespmem:$0x1A100] =	vst v63  }
0x216: {  	s16 =	simm.s32 $0xE900  }
0x217: {  	[tilespmem:s16], [sflag:$0x2] =	stream.indirect_vreg.gather [hbm4b:s9+s3], $0x80, v4, vm0, $0xb8;
	[tilespmem:$0x1A100] =	vst v63  }
0x218: {  	s13 =	simm.s32 $0xF100  }
0x219: {  	[tilespmem:s13], [sflag:$0x2] =	stream.indirect_vreg.gather [hbm4b:s6+s3], $0x80, v3, vm0, $0xb8;
	[tilespmem:$0x1A100] =	vst v63  }
0x21a: {  	s16 =	simm.s32 $0xF900  }
0x21b: {  	[tilespmem:s16], [sflag:$0x2] =	stream.indirect_vreg.gather [hbm4b:s9+s3], $0x80, v3, vm0, $0xb8;
	[tilespmem:$0x1A100] =	vst v63  }
0x21c: {  	v3 =	vld [tilespmem:$0xF0];
	_ =	sdelay $0x4  }
0x21d: {  	v63 =	vshll.u32 v3, $0x2  }
0x21e: {  	v3 =	vand.u32 $0x7, v3;
	v4 =	vand.u32 $0xFFFFFFE0, v63  }
0x21f: {  	v3 =	vor.u32 v3, v4  }
0x220: {  	v4 =	vperm.xlane v3, v0;
	_ =	sdelay $0x1  }
0x221: {  	v4 =	vadd.s32 v1, v4;
	_ =	sdelay $0x1  }
0x222: {  	v3 =	vperm.xlane v3, v2;
	_ =	sdelay $0x1  }
0x223: {  	s13 =	simm.s32 $0x10100;
	v3 =	vadd.s32 v1, v3  }
0x224: {  	[tilespmem:s13], [sflag:$0x2] =	stream.indirect_vreg.gather [hbm4b:s6+s3], $0x80, v4, vm0, $0xb8;
	[tilespmem:$0x1A100] =	vst v63  }
0x225: {  	s16 =	simm.s32 $0x10900  }
0x226: {  	[tilespmem:s16], [sflag:$0x2] =	stream.indirect_vreg.gather [hbm4b:s9+s3], $0x80, v4, vm0, $0xb8;
	[tilespmem:$0x1A100] =	vst v63  }
0x227: {  	s13 =	simm.s32 $0x11100  }
0x228: {  	[tilespmem:s13], [sflag:$0x2] =	stream.indirect_vreg.gather [hbm4b:s6+s3], $0x80, v3, vm0, $0xb8;
	[tilespmem:$0x1A100] =	vst v63  }
0x229: {  	s16 =	simm.s32 $0x11900  }
0x22a: {  	[tilespmem:s16], [sflag:$0x2] =	stream.indirect_vreg.gather [hbm4b:s9+s3], $0x80, v3, vm0, $0xb8;
	[tilespmem:$0x1A100] =	vst v63  }
0x22b: {  	_ =	swait.ge [sflag:s26], $0x8000  }
0x22c: {  	[sflag:s26] =	ssyncset.done $0x0  }
0x22d: {  	s13 =	simm.s32 $0x12100;
	s12 =	rddreg [dreg:$0xc];
	[sflag:s26] =	ssyncadd.s32 $0xFFFF8000  }
0x22e: {  	[hbm4b:s12+s3] =	stream.linear.scatter [tilespmem:s13], [sflag:$0x6], $0x8000, $0x38;
	[tilespmem:$0x1A100] =	vst v63  }
0x22f: {  	_ =	swait.ge [sflag:s14], $0x8000  }
0x230: {  	[sflag:s14] =	ssyncset.done $0x0  }
0x231: {  	s1 =	simm.s32 $0x2100;
	s26 =	rddreg [dreg:$0xd];
	[sflag:s14] =	ssyncadd.s32 $0xFFFF8000  }
0x232: {  	[hbm4b:s26+s3] =	stream.linear.scatter [tilespmem:s1], [sflag:$0x4], $0x8000, $0x38;
	[tilespmem:$0x1A100] =	vst v63  }
0x233: {  	_ =	swait.ge [sflag:s29], $0x8000  }
0x234: {  	[sflag:s29] =	ssyncset.done $0x0  }
0x235: {  	s1 =	rddreg [dreg:$0xe];
	[sflag:s29] =	ssyncadd.s32 $0xFFFF8000  }
0x236: {  	[hbm4b:s1+s3] =	stream.linear.scatter [tilespmem:s0], [sflag:$0x5], $0x8000, $0x38;
	[tilespmem:$0x1A100] =	vst v63  }
0x237: {  	_ =	swait.ge [sflag:s2], $0x8000  }
0x238: {  	[sflag:s2] =	ssyncset.done $0x0  }
0x239: {  	[sflag:s2] =	ssyncadd.s32 $0xFFFF8000  }
0x23a: {  	_ =	swait.ge [sflag:s28], $0x8000  }
0x23b: {  	[sflag:s28] =	ssyncset.done $0x0  }
0x23c: {  	[sflag:s28] =	ssyncadd.s32 $0xFFFF8000  }
0x23d: {  	_ =	swait.ge [sflag:s31], $0x8000  }
0x23e: {  	[sflag:s31] =	ssyncset.done $0x0  }
0x23f: {  	[sflag:s31] =	ssyncadd.s32 $0xFFFF8000  }
0x240: {  	s0 =	simm.s32 $0x40;
	s2 =	simm.s32 $0x100;
	s1 =	rddreg [dreg:$0x0]  }
0x241: {  	[tilespmem:s2], [sflag:$0x7] =	stream.indirect.gather [hbm4b:s1+s0], $0x80, s3, s0, $0xb8;
	[tilespmem:$0x1A100] =	vst v63  }
0x242: {  	_ =	swait.ge [sflag:s15], $0x2000  }
0x243: {  	[sflag:s15] =	ssyncset.done $0x0  }
0x244: {  	s12 =	rddreg [dreg:$0xf];
	[sflag:s15] =	ssyncadd.s32 $0xFFFFE000  }
0x245: {  	[hbm4b:s12+s3] =	stream.linear.scatter [tilespmem:s2], [sflag:$0x8], $0x2000, $0x38;
	[tilespmem:$0x1A100] =	vst v63  }
0x246: {  	_ =	swait.ge [sflag:s11], $0x2000  }
0x247: {  	[sflag:s11] =	ssyncset.done $0x0  }
0x248: {  	[sflag:s11] =	ssyncadd.s32 $0xFFFFE000  }
0x249: {  	[tilespmem:s2], [sflag:$0x7] =	stream.indirect.gather [hbm4b:s1+s0], $0x80, s0, s0, $0xb8;
	[tilespmem:$0x1A100] =	vst v63  }
0x24a: {  	_ =	swait.ge [sflag:s15], $0x2000  }
0x24b: {  	[sflag:s15] =	ssyncset.done $0x0  }
0x24c: {  	s13 =	rddreg [dreg:$0x10];
	[sflag:s15] =	ssyncadd.s32 $0xFFFFE000  }
0x24d: {  	[hbm4b:s13+s3] =	stream.linear.scatter [tilespmem:s2], [sflag:$0x8], $0x2000, $0x38;
	[tilespmem:$0x1A100] =	vst v63  }
0x24e: {  	_ =	swait.ge [sflag:s11], $0x2000  }
0x24f: {  	[sflag:s11] =	ssyncset.done $0x0  }
0x250: {  	s26 =	simm.s32 $0x80;
	[sflag:s11] =	ssyncadd.s32 $0xFFFFE000  }
0x251: {  	[tilespmem:s2], [sflag:$0x7] =	stream.indirect.gather [hbm4b:s1+s0], $0x80, s26, s0, $0xb8;
	[tilespmem:$0x1A100] =	vst v63  }
0x252: {  	_ =	swait.ge [sflag:s15], $0x2000  }
0x253: {  	[sflag:s15] =	ssyncset.done $0x0  }
0x254: {  	s12 =	rddreg [dreg:$0x11];
	[sflag:s15] =	ssyncadd.s32 $0xFFFFE000  }
0x255: {  	[hbm4b:s12+s3] =	stream.linear.scatter [tilespmem:s2], [sflag:$0x8], $0x2000, $0x38;
	[tilespmem:$0x1A100] =	vst v63  }
0x256: {  	_ =	swait.ge [sflag:s11], $0x2000  }
0x257: {  	[sflag:s11] =	ssyncset.done $0x0  }
0x258: {  	s13 =	rddreg [dreg:$0x13];
	[sflag:s11] =	ssyncadd.s32 $0xFFFFE000  }
0x259: {  	[tilespmem:s2], [sflag:$0x7] =	stream.indirect.gather [hbm4b:s1+s0], $0x80, s13, s0, $0xb8;
	[tilespmem:$0x1A100] =	vst v63  }
0x25a: {  	_ =	swait.ge [sflag:s15], $0x2000  }
0x25b: {  	p0 =	sne.s32 s10, $0x1;
	[sflag:s15] =	ssyncset.done $0x0  }
.Ltmp0:
0x25c: {  	s26 =	rddreg [dreg:$0x12];
	[sflag:s15] =	ssyncadd.s32 $0xFFFFE000;
	(pc) =	sbr.rel @p0 .LBB2_1-.Ltmp0, $4  }
0x25d: {  	[hbm4b:s26+s3] =	stream.linear.scatter [tilespmem:s2], [sflag:$0x8], $0x2000, $0x38;
	[tilespmem:$0x1A100] =	vst v63  }
0x25e: {  	_ =	swait.ge [sflag:s11], $0x2000  }
0x25f: {  	[sflag:s11] =	ssyncset.done $0x0  }
0x260: {  	s10 =	sadd.s32 $0xFFFFFFFF, s10;
	[sflag:s11] =	ssyncadd.s32 $0xFFFFE000  }
0x261: {  	_ =	sfence.sel $0x180000  }
0x262: {  	[bflag:$0x0] =	sbarrier.arrive $0xFFFF  }
0x263: {  	_ =	strace $0x90000047  }
0x264: {  	s0 =	stileid.u32;
	[bflag:$0x2] =	sbarrier.arrive $0xFFFF  }
0x265: {  	p0 =	sne.s32 s0, $0x0;
	s0 =	rddreg [dreg:$0x4]  }
0x266: {  	s0 =	sadd.s32 @!p0 $0x100000, s0  }
0x267: {  	[sflag:s0] =	ssyncadd.tile.s32 @!p0 $0x1;
	_ =	shalt  }
.Lfunc_end2:
_tile_overlayer_lowered:
.L_overlay_start_2:
0x268: {  	(tag) =	ssettag $0x2  }
0x269: {  	s0 =	rddreg [dreg:$0x0];
	s2 =	stileid.u32  }
0x26a: {  	s1 =	rddreg [dreg:$0x1];
	p0 =	sne.s32 s2, $0x0  }
0x26b: {  	s3 =	rddreg [dreg:$0x2];
	[bflag:$0x3] =	sbarrier.arrive $0xFFFF;
	s2 =	simm.s32 @!p0 $0x1C08  }
0x26c: {  	[timem:s3], [sflag:s2] =	dma.local @!p0 [hbm:s0], s1  }
0x26d: {  	s0 =	simm.s32 @!p0 $0x8  }
0x26e: {  	_ =	swait.ge @!p0 [sflag:s0], s1  }
0x26f: {  	s1 =	ssub.s32 @!p0 $0x0, s1;
	[sflag:s0] =	ssyncset.done @!p0 $0x0  }
0x270: {  	[sflag:s0] =	ssyncadd.s32 @!p0 s1  }
0x271: {  	[bflag:$0x3] =	sbarrier.arrive $0xFFFF  }
0x272: {  	_ =	shalt  }

</sc_bundles>
